<compile_context>
chip_gen: v7x
topology: tpu7x:2x2x1
jax: 0.10.2.dev20260603
libtpu: 0.0.44.dev20260713+nightly
codegen_flags: <defaults>
</compile_context>

<pallas_src>
import functools

import jax
import jax.numpy as jnp
from jax import lax
from jax.experimental import pallas as pl
from jax.experimental.pallas import tpu as pltpu
from jax.experimental.pallas import tpu_sc as plsc

_INFO = plsc.get_sparse_core_info()
_NC = _INFO.num_cores
_NS = _INFO.num_subcores
_LANES = _INFO.num_lanes
_NW = _NC * _NS


@functools.lru_cache(maxsize=None)
def _build(n_rows: int, d: int, chunk: int):
    rows_per_worker = n_rows // _NW
    n_chunks = rows_per_worker // chunk
    assert n_chunks % 2 == 0
    spr = d // _LANES
    shift = spr.bit_length() - 1
    assert 1 << shift == spr
    mesh = plsc.VectorSubcoreMesh(core_axis_name="c", subcore_axis_name="s")
    scale = float(d) ** 0.5

    @functools.partial(
        pl.kernel,
        mesh=mesh,
        out_type=jax.ShapeDtypeStruct((n_rows, d), jnp.float32),
        scratch_types=[
            pltpu.VMEM((n_chunks, chunk), jnp.int32),
            pltpu.VMEM((2, chunk, d), jnp.float32),
            pltpu.VMEM((2, chunk, d), jnp.float32),
            pltpu.VMEM((2, chunk, d), jnp.float32),
            pltpu.SemaphoreType.DMA,
            pltpu.SemaphoreType.DMA,
            pltpu.SemaphoreType.DMA,
            pltpu.SemaphoreType.DMA,
            pltpu.SemaphoreType.DMA,
            pltpu.SemaphoreType.DMA,
        ],
    )
    def sc_kernel(word_hbm, idx_hbm, table_hbm, out_hbm,
                  idx_v, word_v, rows_v, outb_v,
                  gs0, gs1, ws0, ws1, os0, os1):
        gs = (gs0, gs1)
        ws = (ws0, ws1)
        osm = (os0, os1)
        wid = lax.axis_index("s") * _NC + lax.axis_index("c")
        row0 = wid * rows_per_worker
        pltpu.sync_copy(idx_hbm.at[wid], idx_v)

        def issue_inputs(j, p):
            pltpu.async_copy(table_hbm.at[idx_v.at[j]], rows_v.at[p], gs[p])
            base = row0 + j * chunk
            pltpu.async_copy(word_hbm.at[pl.ds(base, chunk)], word_v.at[p], ws[p])

        issue_inputs(0, 0)

        def pair_body(i, carry):
            for b in (0, 1):
                j = 2 * i + b

                @pl.when(j + 1 < n_chunks)
                def _():
                    issue_inputs(j + 1, 1 - b)
                pltpu.make_async_copy(
                    table_hbm.at[idx_v.at[j]], rows_v.at[b], gs[b]).wait()
                base = row0 + j * chunk
                pltpu.make_async_copy(
                    word_hbm.at[pl.ds(base, chunk)], word_v.at[b], ws[b]).wait()

                @pl.when(i >= 1)
                def _():
                    pltpu.make_async_copy(
                        outb_v.at[b], out_hbm.at[pl.ds(base, chunk)],
                        osm[b]).wait()

                @plsc.parallel_loop(0, chunk * spr, unroll=4)
                def _(ii):
                    r = ii >> shift
                    sl = pl.ds((ii - (r << shift)) * _LANES, _LANES)
                    outb_v[b, r, sl] = (word_v[b, r, sl] * scale
                                        + rows_v[b, r, sl])

                pltpu.async_copy(
                    outb_v.at[b], out_hbm.at[pl.ds(base, chunk)], osm[b])
            return carry

        lax.fori_loop(0, n_chunks // 2, pair_body, 0)

        for b, jlast in ((0, n_chunks - 2), (1, n_chunks - 1)):
            last_base = row0 + jlast * chunk
            pltpu.make_async_copy(
                outb_v.at[b], out_hbm.at[pl.ds(last_base, chunk)],
                osm[b]).wait()

    return sc_kernel


def kernel(src_word, src_pos, emb_table):
    b, s, d = src_word.shape
    n_rows = b * s
    chunk = 16
    rows_per_worker = n_rows // _NW
    n_chunks = rows_per_worker // chunk
    word = src_word.reshape(n_rows, d)
    idx = src_pos.astype(jnp.int32).reshape(_NW, n_chunks, chunk)
    out = _build(n_rows, d, chunk)(word, idx, emb_table)
    return out.reshape(b, s, d)

# --- scband reference (transcript-rebuilt; emitter-appended) ---
"""Pipeline reference for scband-prepare-encoder-8186207666729 (READ-ONLY COPY).

The authoritative reference and input builder live on the scoring server;
editing this copy changes nothing except your own understanding.
"""

import jax, jax.numpy as jnp
import numpy as np

SRC_EMB_DIM = 1024
SRC_MAX_LEN = 2048
BATCH = 4
SEQ = 2048

def setup_inputs(seed: int = 0) -> dict:
    key = jax.random.key(seed)
    k1, k2, k3 = jax.random.split(key, 3)
    src_word = jax.random.normal(k1, (BATCH, SEQ, SRC_EMB_DIM), dtype=jnp.float32)
    src_pos = jax.random.randint(k2, (BATCH, SEQ, 1), 0, SRC_MAX_LEN, dtype=jnp.int64)
    emb_table = jax.random.normal(k3, (SRC_MAX_LEN, SRC_EMB_DIM), dtype=jnp.float32)
    return {"src_word": src_word, "src_pos": src_pos, "emb_table": emb_table}

def reference(src_word, src_pos, emb_table):
    # src_word -> float32, scaled by sqrt(emb_dim)
    src_word_emb = src_word.astype(jnp.float32)
    src_word_emb = (SRC_EMB_DIM ** 0.5) * src_word_emb
    # squeeze last dim of positions and gather positional embeddings
    pos = jnp.squeeze(src_pos, axis=-1).astype(jnp.int64)
    src_pos_enc = jnp.take(emb_table, pos, axis=0)
    enc_input = src_word_emb + src_pos_enc
    # dropout_rate == 0 -> identity
    return enc_input

if __name__ == "__main__":
    import jax
    _d = setup_inputs()
    print(jax.jit(kernel)(*tuple(_d.values())))

</pallas_src>

<mosaic_0001>
#map = affine_map<(d0, d1) -> (0, 0)>
#map1 = affine_map<(d0, d1) -> (0, 0, 0)>
module attributes {stable_mosaic.version = 14 : i64} {
  func.func @sc_kernel(%arg0: i32, %arg1: i32, %arg2: memref<8192x1024xf32, #tpu.memory_space<hbm>>, %arg3: memref<32x16x16xi32, #tpu.memory_space<hbm>>, %arg4: memref<2048x1024xf32, #tpu.memory_space<hbm>>, %arg5: memref<8192x1024xf32, #tpu.memory_space<hbm>>, %arg6: memref<16x16xi32, #tpu.memory_space<vmem>>, %arg7: memref<2x16x1024xf32, #tpu.memory_space<vmem>>, %arg8: memref<2x16x1024xf32, #tpu.memory_space<vmem>>, %arg9: memref<2x16x1024xf32, #tpu.memory_space<vmem>>, %arg10: memref<!tpu.dma_semaphore, #tpu.memory_space<semaphore_mem>>, %arg11: memref<!tpu.dma_semaphore, #tpu.memory_space<semaphore_mem>>, %arg12: memref<!tpu.dma_semaphore, #tpu.memory_space<semaphore_mem>>, %arg13: memref<!tpu.dma_semaphore, #tpu.memory_space<semaphore_mem>>, %arg14: memref<!tpu.dma_semaphore, #tpu.memory_space<semaphore_mem>>, %arg15: memref<!tpu.dma_semaphore, #tpu.memory_space<semaphore_mem>>) attributes {dimension_semantics = [#tpu.dimension_semantics<core_parallel>, #tpu.dimension_semantics<subcore_parallel>], iteration_bounds = array<i64: 2, 16>, scalar_prefetch = 0 : i64, scratch_operands = 10 : i64, tpu.core_type = #tpu.core_type<sc_vector_subcore>, window_params = [{transform_indices = #map}, {transform_indices = #map1}, {transform_indices = #map}, {transform_indices = #map}]} {
    %mul3A = arith.constant 2 : i32
    %mul3A_0 = arith.muli %arg1, %mul3A : i32
    %add3A = arith.addi %mul3A_0, %arg0 : i32
    %mul3A_1 = arith.constant 256 : i32
    %mul3A_2 = arith.muli %add3A, %mul3A_1 : i32
    "tpu.region"() ({
      %run_scoped3A = tpu.sem_alloc : memref<!tpu.dma_semaphore, #tpu.memory_space<semaphore_mem>>
      %dma_start3A_63 = arith.constant 0 : i32
      %dma_start3A_64 = arith.constant 0 : i32
      %dma_start3A_65 = tpu.memref_slice %arg3[%add3A, %dma_start3A_63, %dma_start3A_64] : memref<32x16x16xi32, #tpu.memory_space<hbm>> -> memref<1x16x16xi32, #tpu.memory_space<hbm>>
      %dma_start3A_66 = tpu.memref_squeeze %dma_start3A_65 : memref<1x16x16xi32, #tpu.memory_space<hbm>> -> memref<16x16xi32, #tpu.memory_space<hbm>>
      %dma_start3A_67 = arith.constant 0 : i32
      %dma_start3A_68 = arith.constant 0 : i32
      %dma_start3A_69 = tpu.memref_slice %arg3[%add3A, %dma_start3A_67, %dma_start3A_68] : memref<32x16x16xi32, #tpu.memory_space<hbm>> -> memref<1x16x16xi32, #tpu.memory_space<hbm>>
      %dma_start3A_70 = tpu.memref_squeeze %dma_start3A_69 : memref<1x16x16xi32, #tpu.memory_space<hbm>> -> memref<16x16xi32, #tpu.memory_space<hbm>>
      tpu.enqueue_dma source(%dma_start3A_70 : memref<16x16xi32, #tpu.memory_space<hbm>>) target(%arg6 : memref<16x16xi32, #tpu.memory_space<vmem>>) target_semaphore(%run_scoped3A : memref<!tpu.dma_semaphore, #tpu.memory_space<semaphore_mem>>)
      %dma_wait3A_71 = arith.constant 0 : i32
      %dma_wait3A_72 = arith.constant 0 : i32
      %dma_wait3A_73 = tpu.memref_slice %arg3[%add3A, %dma_wait3A_71, %dma_wait3A_72] : memref<32x16x16xi32, #tpu.memory_space<hbm>> -> memref<1x16x16xi32, #tpu.memory_space<hbm>>
      %dma_wait3A_74 = tpu.memref_squeeze %dma_wait3A_73 : memref<1x16x16xi32, #tpu.memory_space<hbm>> -> memref<16x16xi32, #tpu.memory_space<hbm>>
      %dma_wait3A_75 = arith.constant 0 : i32
      %dma_wait3A_76 = arith.constant 0 : i32
      %dma_wait3A_77 = tpu.memref_slice %arg3[%add3A, %dma_wait3A_75, %dma_wait3A_76] : memref<32x16x16xi32, #tpu.memory_space<hbm>> -> memref<1x16x16xi32, #tpu.memory_space<hbm>>
      %dma_wait3A_78 = tpu.memref_squeeze %dma_wait3A_77 : memref<1x16x16xi32, #tpu.memory_space<hbm>> -> memref<16x16xi32, #tpu.memory_space<hbm>>
      tpu.wait_dma2 semaphore(%run_scoped3A : memref<!tpu.dma_semaphore, #tpu.memory_space<semaphore_mem>>) src(%dma_wait3A_78 : memref<16x16xi32, #tpu.memory_space<hbm>>) dst(%arg6 : memref<16x16xi32, #tpu.memory_space<vmem>>)
      tpu.yield
    }) : () -> ()
    %dma_start3A = arith.constant 0 : i32
    %dma_start3A_3 = arith.constant 0 : i32
    %dma_start3A_4 = arith.constant 0 : i32
    %dma_start3A_5 = arith.constant 0 : i32
    %dma_start3A_6 = tpu.memref_slice %arg8[%dma_start3A_3, %dma_start3A_4, %dma_start3A_5] : memref<2x16x1024xf32, #tpu.memory_space<vmem>> -> memref<1x16x1024xf32, #tpu.memory_space<vmem>>
    %dma_start3A_7 = tpu.memref_squeeze %dma_start3A_6 : memref<1x16x1024xf32, #tpu.memory_space<vmem>> -> memref<16x1024xf32, #tpu.memory_space<vmem>>
    %dma_start3A_8 = arith.constant 0 : i32
    %dma_start3A_9 = tpu.memref_slice %arg6[%dma_start3A, %dma_start3A_8] : memref<16x16xi32, #tpu.memory_space<vmem>> -> memref<1x16xi32, #tpu.memory_space<vmem>>
    %dma_start3A_10 = tpu.memref_squeeze %dma_start3A_9 : memref<1x16xi32, #tpu.memory_space<vmem>> -> memref<16xi32, #tpu.memory_space<vmem>>
    %dma_start3A_11 = arith.constant 0 : i32
    %dma_start3A_12 = arith.constant 0 : i32
    %dma_start3A_13 = tpu.memref_slice %arg4[%dma_start3A_11, %dma_start3A_12] : memref<2048x1024xf32, #tpu.memory_space<hbm>> -> memref<2048x1024xf32, #tpu.memory_space<hbm>>
    tpu.enqueue_indirect_dma source(%dma_start3A_13 : memref<2048x1024xf32, #tpu.memory_space<hbm>>) target(%dma_start3A_7 : memref<16x1024xf32, #tpu.memory_space<vmem>>) offsets(%dma_start3A_10 : memref<16xi32, #tpu.memory_space<vmem>>) semaphore(%arg10 : memref<!tpu.dma_semaphore, #tpu.memory_space<semaphore_mem>>)
    %add3A_14 = arith.constant 0 : i32
    %add3A_15 = arith.addi %mul3A_2, %add3A_14 : i32
    %dma_start3A_16 = arith.constant 0 : i32
    %dma_start3A_17 = arith.constant 0 : i32
    %dma_start3A_18 = arith.constant 0 : i32
    %dma_start3A_19 = tpu.memref_slice %arg7[%dma_start3A_16, %dma_start3A_17, %dma_start3A_18] : memref<2x16x1024xf32, #tpu.memory_space<vmem>> -> memref<1x16x1024xf32, #tpu.memory_space<vmem>>
    %dma_start3A_20 = tpu.memref_squeeze %dma_start3A_19 : memref<1x16x1024xf32, #tpu.memory_space<vmem>> -> memref<16x1024xf32, #tpu.memory_space<vmem>>
    %dma_start3A_21 = arith.constant 0 : i32
    %dma_start3A_22 = tpu.memref_slice %arg2[%add3A_15, %dma_start3A_21] : memref<8192x1024xf32, #tpu.memory_space<hbm>> -> memref<16x1024xf32, #tpu.memory_space<hbm>>
    %dma_start3A_23 = arith.constant 0 : i32
    %dma_start3A_24 = arith.constant 0 : i32
    %dma_start3A_25 = tpu.memref_slice %arg7[%dma_start3A_16, %dma_start3A_23, %dma_start3A_24] : memref<2x16x1024xf32, #tpu.memory_space<vmem>> -> memref<1x16x1024xf32, #tpu.memory_space<vmem>>
    %dma_start3A_26 = tpu.memref_squeeze %dma_start3A_25 : memref<1x16x1024xf32, #tpu.memory_space<vmem>> -> memref<16x1024xf32, #tpu.memory_space<vmem>>
    %dma_start3A_27 = arith.constant 0 : i32
    %dma_start3A_28 = tpu.memref_slice %arg2[%add3A_15, %dma_start3A_27] : memref<8192x1024xf32, #tpu.memory_space<hbm>> -> memref<16x1024xf32, #tpu.memory_space<hbm>>
    tpu.enqueue_dma source(%dma_start3A_28 : memref<16x1024xf32, #tpu.memory_space<hbm>>) target(%dma_start3A_26 : memref<16x1024xf32, #tpu.memory_space<vmem>>) target_semaphore(%arg12 : memref<!tpu.dma_semaphore, #tpu.memory_space<semaphore_mem>>)
    %scan3A = arith.constant 0 : i32
    %scan3A_29 = arith.constant 0 : i32
    %scan3A_30 = arith.constant 8 : i32
    %scan3A_31 = arith.addi %scan3A_29, %scan3A_30 : i32
    %scan3A_32 = arith.constant 1 : i32
    scf.for %scan3A_63 = %scan3A_29 to %scan3A_31 step %scan3A_32  : i32 {
      %mul3A_64 = arith.constant 2 : i32
      %mul3A_65 = arith.muli %mul3A_64, %scan3A_63 : i32
      %add3A_66 = arith.constant 0 : i32
      %add3A_67 = arith.addi %mul3A_65, %add3A_66 : i32
      %add3A_68 = arith.constant 1 : i32
      %add3A_69 = arith.addi %add3A_67, %add3A_68 : i32
      %lt3A = arith.constant 16 : i32
      %lt3A_70 = arith.cmpi slt, %add3A_69, %lt3A : i32
      %convert_element_type3A = arith.extui %lt3A_70 : i1 to i32
      %cond3A = arith.constant 0 : i32
      %cond3A_71 = arith.cmpi ne, %convert_element_type3A, %cond3A : i32
      scf.if %cond3A_71 {
        %add3A_177 = arith.constant 1 : i32
        %add3A_178 = arith.addi %add3A_67, %add3A_177 : i32
        %dma_start3A_179 = arith.constant 1 : i32
        %dma_start3A_180 = arith.constant 0 : i32
        %dma_start3A_181 = arith.constant 0 : i32
        %dma_start3A_182 = tpu.memref_slice %arg8[%dma_start3A_179, %dma_start3A_180, %dma_start3A_181] : memref<2x16x1024xf32, #tpu.memory_space<vmem>> -> memref<1x16x1024xf32, #tpu.memory_space<vmem>>
        %dma_start3A_183 = tpu.memref_squeeze %dma_start3A_182 : memref<1x16x1024xf32, #tpu.memory_space<vmem>> -> memref<16x1024xf32, #tpu.memory_space<vmem>>
        %dma_start3A_184 = arith.constant 0 : i32
        %dma_start3A_185 = tpu.memref_slice %arg6[%add3A_178, %dma_start3A_184] : memref<16x16xi32, #tpu.memory_space<vmem>> -> memref<1x16xi32, #tpu.memory_space<vmem>>
        %dma_start3A_186 = tpu.memref_squeeze %dma_start3A_185 : memref<1x16xi32, #tpu.memory_space<vmem>> -> memref<16xi32, #tpu.memory_space<vmem>>
        %dma_start3A_187 = arith.constant 0 : i32
        %dma_start3A_188 = arith.constant 0 : i32
        %dma_start3A_189 = tpu.memref_slice %arg4[%dma_start3A_187, %dma_start3A_188] : memref<2048x1024xf32, #tpu.memory_space<hbm>> -> memref<2048x1024xf32, #tpu.memory_space<hbm>>
        tpu.enqueue_indirect_dma source(%dma_start3A_189 : memref<2048x1024xf32, #tpu.memory_space<hbm>>) target(%dma_start3A_183 : memref<16x1024xf32, #tpu.memory_space<vmem>>) offsets(%dma_start3A_186 : memref<16xi32, #tpu.memory_space<vmem>>) semaphore(%arg11 : memref<!tpu.dma_semaphore, #tpu.memory_space<semaphore_mem>>)
        %mul3A_190 = arith.constant 16 : i32
        %mul3A_191 = arith.muli %add3A_178, %mul3A_190 : i32
        %add3A_192 = arith.addi %mul3A_2, %mul3A_191 : i32
        %dma_start3A_193 = arith.constant 1 : i32
        %dma_start3A_194 = arith.constant 0 : i32
        %dma_start3A_195 = arith.constant 0 : i32
        %dma_start3A_196 = tpu.memref_slice %arg7[%dma_start3A_193, %dma_start3A_194, %dma_start3A_195] : memref<2x16x1024xf32, #tpu.memory_space<vmem>> -> memref<1x16x1024xf32, #tpu.memory_space<vmem>>
        %dma_start3A_197 = tpu.memref_squeeze %dma_start3A_196 : memref<1x16x1024xf32, #tpu.memory_space<vmem>> -> memref<16x1024xf32, #tpu.memory_space<vmem>>
        %dma_start3A_198 = arith.constant 0 : i32
        %dma_start3A_199 = tpu.memref_slice %arg2[%add3A_192, %dma_start3A_198] : memref<8192x1024xf32, #tpu.memory_space<hbm>> -> memref<16x1024xf32, #tpu.memory_space<hbm>>
        %dma_start3A_200 = arith.constant 0 : i32
        %dma_start3A_201 = arith.constant 0 : i32
        %dma_start3A_202 = tpu.memref_slice %arg7[%dma_start3A_193, %dma_start3A_200, %dma_start3A_201] : memref<2x16x1024xf32, #tpu.memory_space<vmem>> -> memref<1x16x1024xf32, #tpu.memory_space<vmem>>
        %dma_start3A_203 = tpu.memref_squeeze %dma_start3A_202 : memref<1x16x1024xf32, #tpu.memory_space<vmem>> -> memref<16x1024xf32, #tpu.memory_space<vmem>>
        %dma_start3A_204 = arith.constant 0 : i32
        %dma_start3A_205 = tpu.memref_slice %arg2[%add3A_192, %dma_start3A_204] : memref<8192x1024xf32, #tpu.memory_space<hbm>> -> memref<16x1024xf32, #tpu.memory_space<hbm>>
        tpu.enqueue_dma source(%dma_start3A_205 : memref<16x1024xf32, #tpu.memory_space<hbm>>) target(%dma_start3A_203 : memref<16x1024xf32, #tpu.memory_space<vmem>>) target_semaphore(%arg13 : memref<!tpu.dma_semaphore, #tpu.memory_space<semaphore_mem>>)
      } else {
      }
      %dma_wait3A_72 = arith.constant 0 : i32
      %dma_wait3A_73 = arith.constant 0 : i32
      %dma_wait3A_74 = arith.constant 0 : i32
      %dma_wait3A_75 = tpu.memref_slice %arg8[%dma_wait3A_72, %dma_wait3A_73, %dma_wait3A_74] : memref<2x16x1024xf32, #tpu.memory_space<vmem>> -> memref<1x16x1024xf32, #tpu.memory_space<vmem>>
      %dma_wait3A_76 = tpu.memref_squeeze %dma_wait3A_75 : memref<1x16x1024xf32, #tpu.memory_space<vmem>> -> memref<16x1024xf32, #tpu.memory_space<vmem>>
      %dma_wait3A_77 = arith.constant 0 : i32
      %dma_wait3A_78 = tpu.memref_slice %arg6[%add3A_67, %dma_wait3A_77] : memref<16x16xi32, #tpu.memory_space<vmem>> -> memref<1x16xi32, #tpu.memory_space<vmem>>
      %dma_wait3A_79 = tpu.memref_squeeze %dma_wait3A_78 : memref<1x16xi32, #tpu.memory_space<vmem>> -> memref<16xi32, #tpu.memory_space<vmem>>
      %dma_wait3A_80 = arith.constant 0 : i32
      %dma_wait3A_81 = arith.constant 0 : i32
      %dma_wait3A_82 = tpu.memref_slice %arg4[%dma_wait3A_80, %dma_wait3A_81] : memref<2048x1024xf32, #tpu.memory_space<hbm>> -> memref<2048x1024xf32, #tpu.memory_space<hbm>>
      tpu.wait_indirect_dma semaphore(%arg10 : memref<!tpu.dma_semaphore, #tpu.memory_space<semaphore_mem>>) src(%dma_wait3A_82 : memref<2048x1024xf32, #tpu.memory_space<hbm>>) dst(%dma_wait3A_76 : memref<16x1024xf32, #tpu.memory_space<vmem>>)
      %mul3A_83 = arith.constant 16 : i32
      %mul3A_84 = arith.muli %add3A_67, %mul3A_83 : i32
      %add3A_85 = arith.addi %mul3A_2, %mul3A_84 : i32
      %dma_wait3A_86 = arith.constant 0 : i32
      %dma_wait3A_87 = arith.constant 0 : i32
      %dma_wait3A_88 = arith.constant 0 : i32
      %dma_wait3A_89 = tpu.memref_slice %arg7[%dma_wait3A_86, %dma_wait3A_87, %dma_wait3A_88] : memref<2x16x1024xf32, #tpu.memory_space<vmem>> -> memref<1x16x1024xf32, #tpu.memory_space<vmem>>
      %dma_wait3A_90 = tpu.memref_squeeze %dma_wait3A_89 : memref<1x16x1024xf32, #tpu.memory_space<vmem>> -> memref<16x1024xf32, #tpu.memory_space<vmem>>
      %dma_wait3A_91 = arith.constant 0 : i32
      %dma_wait3A_92 = tpu.memref_slice %arg2[%add3A_85, %dma_wait3A_91] : memref<8192x1024xf32, #tpu.memory_space<hbm>> -> memref<16x1024xf32, #tpu.memory_space<hbm>>
      %dma_wait3A_93 = arith.constant 0 : i32
      %dma_wait3A_94 = arith.constant 0 : i32
      %dma_wait3A_95 = tpu.memref_slice %arg7[%dma_wait3A_86, %dma_wait3A_93, %dma_wait3A_94] : memref<2x16x1024xf32, #tpu.memory_space<vmem>> -> memref<1x16x1024xf32, #tpu.memory_space<vmem>>
      %dma_wait3A_96 = tpu.memref_squeeze %dma_wait3A_95 : memref<1x16x1024xf32, #tpu.memory_space<vmem>> -> memref<16x1024xf32, #tpu.memory_space<vmem>>
      %dma_wait3A_97 = arith.constant 0 : i32
      %dma_wait3A_98 = tpu.memref_slice %arg2[%add3A_85, %dma_wait3A_97] : memref<8192x1024xf32, #tpu.memory_space<hbm>> -> memref<16x1024xf32, #tpu.memory_space<hbm>>
      tpu.wait_dma2 semaphore(%arg12 : memref<!tpu.dma_semaphore, #tpu.memory_space<semaphore_mem>>) src(%dma_wait3A_98 : memref<16x1024xf32, #tpu.memory_space<hbm>>) dst(%dma_wait3A_96 : memref<16x1024xf32, #tpu.memory_space<vmem>>)
      %ge3A = arith.constant 1 : i32
      %ge3A_99 = arith.cmpi sge, %scan3A_63, %ge3A : i32
      %convert_element_type3A_100 = arith.extui %ge3A_99 : i1 to i32
      %cond3A_101 = arith.constant 0 : i32
      %cond3A_102 = arith.cmpi ne, %convert_element_type3A_100, %cond3A_101 : i32
      scf.if %cond3A_102 {
        %dma_wait3A_177 = arith.constant 0 : i32
        %dma_wait3A_178 = arith.constant 0 : i32
        %dma_wait3A_179 = arith.constant 0 : i32
        %dma_wait3A_180 = tpu.memref_slice %arg9[%dma_wait3A_177, %dma_wait3A_178, %dma_wait3A_179] : memref<2x16x1024xf32, #tpu.memory_space<vmem>> -> memref<1x16x1024xf32, #tpu.memory_space<vmem>>
        %dma_wait3A_181 = tpu.memref_squeeze %dma_wait3A_180 : memref<1x16x1024xf32, #tpu.memory_space<vmem>> -> memref<16x1024xf32, #tpu.memory_space<vmem>>
        %dma_wait3A_182 = arith.constant 0 : i32
        %dma_wait3A_183 = tpu.memref_slice %arg5[%add3A_85, %dma_wait3A_182] : memref<8192x1024xf32, #tpu.memory_space<hbm>> -> memref<16x1024xf32, #tpu.memory_space<hbm>>
        %dma_wait3A_184 = arith.constant 0 : i32
        %dma_wait3A_185 = tpu.memref_slice %arg5[%add3A_85, %dma_wait3A_184] : memref<8192x1024xf32, #tpu.memory_space<hbm>> -> memref<16x1024xf32, #tpu.memory_space<hbm>>
        %dma_wait3A_186 = arith.constant 0 : i32
        %dma_wait3A_187 = arith.constant 0 : i32
        %dma_wait3A_188 = tpu.memref_slice %arg9[%dma_wait3A_177, %dma_wait3A_186, %dma_wait3A_187] : memref<2x16x1024xf32, #tpu.memory_space<vmem>> -> memref<1x16x1024xf32, #tpu.memory_space<vmem>>
        %dma_wait3A_189 = tpu.memref_squeeze %dma_wait3A_188 : memref<1x16x1024xf32, #tpu.memory_space<vmem>> -> memref<16x1024xf32, #tpu.memory_space<vmem>>
        tpu.wait_dma2 semaphore(%arg14 : memref<!tpu.dma_semaphore, #tpu.memory_space<semaphore_mem>>) src(%dma_wait3A_189 : memref<16x1024xf32, #tpu.memory_space<vmem>>) dst(%dma_wait3A_185 : memref<16x1024xf32, #tpu.memory_space<hbm>>)
      } else {
      }
      %parallel_loop3A = arith.constant 0 : i32
      %parallel_loop3A_103 = arith.constant 1024 : i32
      %parallel_loop3A_104 = arith.constant 1 : i32
      scf.for %parallel_loop3A_177 = %parallel_loop3A to %parallel_loop3A_103 step %parallel_loop3A_104  : i32 {
        %parallel_loop3A_178 = arith.constant 6 : i32
        %parallel_loop3A_179 = arith.shrsi %parallel_loop3A_177, %parallel_loop3A_178 : i32
        %parallel_loop3A_180 = arith.constant 6 : i32
        %parallel_loop3A_181 = arith.shli %parallel_loop3A_179, %parallel_loop3A_180 : i32
        %parallel_loop3A_182 = arith.subi %parallel_loop3A_177, %parallel_loop3A_181 : i32
        %parallel_loop3A_183 = arith.constant 16 : i32
        %parallel_loop3A_184 = arith.muli %parallel_loop3A_182, %parallel_loop3A_183 : i32
        %parallel_loop3A_185 = arith.constant 0 : i32
        %parallel_loop3A_186 = arith.index_cast %parallel_loop3A_185 : i32 to index
        %parallel_loop3A_187 = arith.index_cast %parallel_loop3A_179 : i32 to index
        %parallel_loop3A_188 = arith.index_cast %parallel_loop3A_184 : i32 to index
        %parallel_loop3A_189 = tpu.vector_load %arg7[%parallel_loop3A_186, %parallel_loop3A_187, %parallel_loop3A_188] {strides = array<i32>} : memref<2x16x1024xf32, #tpu.memory_space<vmem>>, vector<1x1x16xf32>,
        %parallel_loop3A_190 = vector.shape_cast %parallel_loop3A_189 : vector<1x1x16xf32> to vector<16xf32>
        %parallel_loop3A_191 = arith.constant 3.200000e+01 : f32
        %parallel_loop3A_192 = vector.broadcast %parallel_loop3A_191 : f32 to vector<16xf32>
        %parallel_loop3A_193 = arith.mulf %parallel_loop3A_190, %parallel_loop3A_192 : vector<16xf32>
        %parallel_loop3A_194 = arith.constant 0 : i32
        %parallel_loop3A_195 = arith.index_cast %parallel_loop3A_194 : i32 to index
        %parallel_loop3A_196 = arith.index_cast %parallel_loop3A_179 : i32 to index
        %parallel_loop3A_197 = arith.index_cast %parallel_loop3A_184 : i32 to index
        %parallel_loop3A_198 = tpu.vector_load %arg8[%parallel_loop3A_195, %parallel_loop3A_196, %parallel_loop3A_197] {strides = array<i32>} : memref<2x16x1024xf32, #tpu.memory_space<vmem>>, vector<1x1x16xf32>,
        %parallel_loop3A_199 = vector.shape_cast %parallel_loop3A_198 : vector<1x1x16xf32> to vector<16xf32>
        %parallel_loop3A_200 = arith.addf %parallel_loop3A_193, %parallel_loop3A_199 : vector<16xf32>
        %parallel_loop3A_201 = arith.constant 0 : i32
        %parallel_loop3A_202 = arith.index_cast %parallel_loop3A_201 : i32 to index
        %parallel_loop3A_203 = arith.index_cast %parallel_loop3A_179 : i32 to index
        %parallel_loop3A_204 = arith.index_cast %parallel_loop3A_184 : i32 to index
        %parallel_loop3A_205 = tpu.vector_load %arg9[%parallel_loop3A_202, %parallel_loop3A_203, %parallel_loop3A_204] {strides = array<i32>} : memref<2x16x1024xf32, #tpu.memory_space<vmem>>, vector<1x1x16xf32>,
        %parallel_loop3A_206 = vector.shape_cast %parallel_loop3A_205 : vector<1x1x16xf32> to vector<16xf32>
        %parallel_loop3A_207 = vector.shape_cast %parallel_loop3A_200 : vector<16xf32> to vector<1x1x16xf32>
        tpu.vector_store %arg9[%parallel_loop3A_202, %parallel_loop3A_203, %parallel_loop3A_204], %parallel_loop3A_207 {strides = array<i32>} : memref<2x16x1024xf32, #tpu.memory_space<vmem>>, vector<1x1x16xf32>,
      } {sc.loop_unroll_factor = 4 : i64, sc.parallel_access}
      %dma_start3A_105 = arith.constant 0 : i32
      %dma_start3A_106 = arith.constant 0 : i32
      %dma_start3A_107 = arith.constant 0 : i32
      %dma_start3A_108 = tpu.memref_slice %arg9[%dma_start3A_105, %dma_start3A_106, %dma_start3A_107] : memref<2x16x1024xf32, #tpu.memory_space<vmem>> -> memref<1x16x1024xf32, #tpu.memory_space<vmem>>
      %dma_start3A_109 = tpu.memref_squeeze %dma_start3A_108 : memref<1x16x1024xf32, #tpu.memory_space<vmem>> -> memref<16x1024xf32, #tpu.memory_space<vmem>>
      %dma_start3A_110 = arith.constant 0 : i32
      %dma_start3A_111 = tpu.memref_slice %arg5[%add3A_85, %dma_start3A_110] : memref<8192x1024xf32, #tpu.memory_space<hbm>> -> memref<16x1024xf32, #tpu.memory_space<hbm>>
      %dma_start3A_112 = arith.constant 0 : i32
      %dma_start3A_113 = tpu.memref_slice %arg5[%add3A_85, %dma_start3A_112] : memref<8192x1024xf32, #tpu.memory_space<hbm>> -> memref<16x1024xf32, #tpu.memory_space<hbm>>
      %dma_start3A_114 = arith.constant 0 : i32
      %dma_start3A_115 = arith.constant 0 : i32
      %dma_start3A_116 = tpu.memref_slice %arg9[%dma_start3A_105, %dma_start3A_114, %dma_start3A_115] : memref<2x16x1024xf32, #tpu.memory_space<vmem>> -> memref<1x16x1024xf32, #tpu.memory_space<vmem>>
      %dma_start3A_117 = tpu.memref_squeeze %dma_start3A_116 : memref<1x16x1024xf32, #tpu.memory_space<vmem>> -> memref<16x1024xf32, #tpu.memory_space<vmem>>
      tpu.enqueue_dma source(%dma_start3A_117 : memref<16x1024xf32, #tpu.memory_space<vmem>>) target(%dma_start3A_113 : memref<16x1024xf32, #tpu.memory_space<hbm>>) target_semaphore(%arg14 : memref<!tpu.dma_semaphore, #tpu.memory_space<semaphore_mem>>)
      %mul3A_118 = arith.constant 2 : i32
      %mul3A_119 = arith.muli %mul3A_118, %scan3A_63 : i32
      %add3A_120 = arith.constant 1 : i32
      %add3A_121 = arith.addi %mul3A_119, %add3A_120 : i32
      %add3A_122 = arith.constant 1 : i32
      %add3A_123 = arith.addi %add3A_121, %add3A_122 : i32
      %lt3A_124 = arith.constant 16 : i32
      %lt3A_125 = arith.cmpi slt, %add3A_123, %lt3A_124 : i32
      %convert_element_type3A_126 = arith.extui %lt3A_125 : i1 to i32
      %cond3A_127 = arith.constant 0 : i32
      %cond3A_128 = arith.cmpi ne, %convert_element_type3A_126, %cond3A_127 : i32
      scf.if %cond3A_128 {
        %add3A_177 = arith.constant 1 : i32
        %add3A_178 = arith.addi %add3A_121, %add3A_177 : i32
        %dma_start3A_179 = arith.constant 0 : i32
        %dma_start3A_180 = arith.constant 0 : i32
        %dma_start3A_181 = arith.constant 0 : i32
        %dma_start3A_182 = tpu.memref_slice %arg8[%dma_start3A_179, %dma_start3A_180, %dma_start3A_181] : memref<2x16x1024xf32, #tpu.memory_space<vmem>> -> memref<1x16x1024xf32, #tpu.memory_space<vmem>>
        %dma_start3A_183 = tpu.memref_squeeze %dma_start3A_182 : memref<1x16x1024xf32, #tpu.memory_space<vmem>> -> memref<16x1024xf32, #tpu.memory_space<vmem>>
        %dma_start3A_184 = arith.constant 0 : i32
        %dma_start3A_185 = tpu.memref_slice %arg6[%add3A_178, %dma_start3A_184] : memref<16x16xi32, #tpu.memory_space<vmem>> -> memref<1x16xi32, #tpu.memory_space<vmem>>
        %dma_start3A_186 = tpu.memref_squeeze %dma_start3A_185 : memref<1x16xi32, #tpu.memory_space<vmem>> -> memref<16xi32, #tpu.memory_space<vmem>>
        %dma_start3A_187 = arith.constant 0 : i32
        %dma_start3A_188 = arith.constant 0 : i32
        %dma_start3A_189 = tpu.memref_slice %arg4[%dma_start3A_187, %dma_start3A_188] : memref<2048x1024xf32, #tpu.memory_space<hbm>> -> memref<2048x1024xf32, #tpu.memory_space<hbm>>
        tpu.enqueue_indirect_dma source(%dma_start3A_189 : memref<2048x1024xf32, #tpu.memory_space<hbm>>) target(%dma_start3A_183 : memref<16x1024xf32, #tpu.memory_space<vmem>>) offsets(%dma_start3A_186 : memref<16xi32, #tpu.memory_space<vmem>>) semaphore(%arg10 : memref<!tpu.dma_semaphore, #tpu.memory_space<semaphore_mem>>)
        %mul3A_190 = arith.constant 16 : i32
        %mul3A_191 = arith.muli %add3A_178, %mul3A_190 : i32
        %add3A_192 = arith.addi %mul3A_2, %mul3A_191 : i32
        %dma_start3A_193 = arith.constant 0 : i32
        %dma_start3A_194 = arith.constant 0 : i32
        %dma_start3A_195 = arith.constant 0 : i32
        %dma_start3A_196 = tpu.memref_slice %arg7[%dma_start3A_193, %dma_start3A_194, %dma_start3A_195] : memref<2x16x1024xf32, #tpu.memory_space<vmem>> -> memref<1x16x1024xf32, #tpu.memory_space<vmem>>
        %dma_start3A_197 = tpu.memref_squeeze %dma_start3A_196 : memref<1x16x1024xf32, #tpu.memory_space<vmem>> -> memref<16x1024xf32, #tpu.memory_space<vmem>>
        %dma_start3A_198 = arith.constant 0 : i32
        %dma_start3A_199 = tpu.memref_slice %arg2[%add3A_192, %dma_start3A_198] : memref<8192x1024xf32, #tpu.memory_space<hbm>> -> memref<16x1024xf32, #tpu.memory_space<hbm>>
        %dma_start3A_200 = arith.constant 0 : i32
        %dma_start3A_201 = arith.constant 0 : i32
        %dma_start3A_202 = tpu.memref_slice %arg7[%dma_start3A_193, %dma_start3A_200, %dma_start3A_201] : memref<2x16x1024xf32, #tpu.memory_space<vmem>> -> memref<1x16x1024xf32, #tpu.memory_space<vmem>>
        %dma_start3A_203 = tpu.memref_squeeze %dma_start3A_202 : memref<1x16x1024xf32, #tpu.memory_space<vmem>> -> memref<16x1024xf32, #tpu.memory_space<vmem>>
        %dma_start3A_204 = arith.constant 0 : i32
        %dma_start3A_205 = tpu.memref_slice %arg2[%add3A_192, %dma_start3A_204] : memref<8192x1024xf32, #tpu.memory_space<hbm>> -> memref<16x1024xf32, #tpu.memory_space<hbm>>
        tpu.enqueue_dma source(%dma_start3A_205 : memref<16x1024xf32, #tpu.memory_space<hbm>>) target(%dma_start3A_203 : memref<16x1024xf32, #tpu.memory_space<vmem>>) target_semaphore(%arg12 : memref<!tpu.dma_semaphore, #tpu.memory_space<semaphore_mem>>)
      } else {
      }
      %dma_wait3A_129 = arith.constant 1 : i32
      %dma_wait3A_130 = arith.constant 0 : i32
      %dma_wait3A_131 = arith.constant 0 : i32
      %dma_wait3A_132 = tpu.memref_slice %arg8[%dma_wait3A_129, %dma_wait3A_130, %dma_wait3A_131] : memref<2x16x1024xf32, #tpu.memory_space<vmem>> -> memref<1x16x1024xf32, #tpu.memory_space<vmem>>
      %dma_wait3A_133 = tpu.memref_squeeze %dma_wait3A_132 : memref<1x16x1024xf32, #tpu.memory_space<vmem>> -> memref<16x1024xf32, #tpu.memory_space<vmem>>
      %dma_wait3A_134 = arith.constant 0 : i32
      %dma_wait3A_135 = tpu.memref_slice %arg6[%add3A_121, %dma_wait3A_134] : memref<16x16xi32, #tpu.memory_space<vmem>> -> memref<1x16xi32, #tpu.memory_space<vmem>>
      %dma_wait3A_136 = tpu.memref_squeeze %dma_wait3A_135 : memref<1x16xi32, #tpu.memory_space<vmem>> -> memref<16xi32, #tpu.memory_space<vmem>>
      %dma_wait3A_137 = arith.constant 0 : i32
      %dma_wait3A_138 = arith.constant 0 : i32
      %dma_wait3A_139 = tpu.memref_slice %arg4[%dma_wait3A_137, %dma_wait3A_138] : memref<2048x1024xf32, #tpu.memory_space<hbm>> -> memref<2048x1024xf32, #tpu.memory_space<hbm>>
      tpu.wait_indirect_dma semaphore(%arg11 : memref<!tpu.dma_semaphore, #tpu.memory_space<semaphore_mem>>) src(%dma_wait3A_139 : memref<2048x1024xf32, #tpu.memory_space<hbm>>) dst(%dma_wait3A_133 : memref<16x1024xf32, #tpu.memory_space<vmem>>)
      %mul3A_140 = arith.constant 16 : i32
      %mul3A_141 = arith.muli %add3A_121, %mul3A_140 : i32
      %add3A_142 = arith.addi %mul3A_2, %mul3A_141 : i32
      %dma_wait3A_143 = arith.constant 1 : i32
      %dma_wait3A_144 = arith.constant 0 : i32
      %dma_wait3A_145 = arith.constant 0 : i32
      %dma_wait3A_146 = tpu.memref_slice %arg7[%dma_wait3A_143, %dma_wait3A_144, %dma_wait3A_145] : memref<2x16x1024xf32, #tpu.memory_space<vmem>> -> memref<1x16x1024xf32, #tpu.memory_space<vmem>>
      %dma_wait3A_147 = tpu.memref_squeeze %dma_wait3A_146 : memref<1x16x1024xf32, #tpu.memory_space<vmem>> -> memref<16x1024xf32, #tpu.memory_space<vmem>>
      %dma_wait3A_148 = arith.constant 0 : i32
      %dma_wait3A_149 = tpu.memref_slice %arg2[%add3A_142, %dma_wait3A_148] : memref<8192x1024xf32, #tpu.memory_space<hbm>> -> memref<16x1024xf32, #tpu.memory_space<hbm>>
      %dma_wait3A_150 = arith.constant 0 : i32
      %dma_wait3A_151 = arith.constant 0 : i32
      %dma_wait3A_152 = tpu.memref_slice %arg7[%dma_wait3A_143, %dma_wait3A_150, %dma_wait3A_151] : memref<2x16x1024xf32, #tpu.memory_space<vmem>> -> memref<1x16x1024xf32, #tpu.memory_space<vmem>>
      %dma_wait3A_153 = tpu.memref_squeeze %dma_wait3A_152 : memref<1x16x1024xf32, #tpu.memory_space<vmem>> -> memref<16x1024xf32, #tpu.memory_space<vmem>>
      %dma_wait3A_154 = arith.constant 0 : i32
      %dma_wait3A_155 = tpu.memref_slice %arg2[%add3A_142, %dma_wait3A_154] : memref<8192x1024xf32, #tpu.memory_space<hbm>> -> memref<16x1024xf32, #tpu.memory_space<hbm>>
      tpu.wait_dma2 semaphore(%arg13 : memref<!tpu.dma_semaphore, #tpu.memory_space<semaphore_mem>>) src(%dma_wait3A_155 : memref<16x1024xf32, #tpu.memory_space<hbm>>) dst(%dma_wait3A_153 : memref<16x1024xf32, #tpu.memory_space<vmem>>)
      %ge3A_156 = arith.constant 1 : i32
      %ge3A_157 = arith.cmpi sge, %scan3A_63, %ge3A_156 : i32
      %convert_element_type3A_158 = arith.extui %ge3A_157 : i1 to i32
      %cond3A_159 = arith.constant 0 : i32
      %cond3A_160 = arith.cmpi ne, %convert_element_type3A_158, %cond3A_159 : i32
      scf.if %cond3A_160 {
        %dma_wait3A_177 = arith.constant 1 : i32
        %dma_wait3A_178 = arith.constant 0 : i32
        %dma_wait3A_179 = arith.constant 0 : i32
        %dma_wait3A_180 = tpu.memref_slice %arg9[%dma_wait3A_177, %dma_wait3A_178, %dma_wait3A_179] : memref<2x16x1024xf32, #tpu.memory_space<vmem>> -> memref<1x16x1024xf32, #tpu.memory_space<vmem>>
        %dma_wait3A_181 = tpu.memref_squeeze %dma_wait3A_180 : memref<1x16x1024xf32, #tpu.memory_space<vmem>> -> memref<16x1024xf32, #tpu.memory_space<vmem>>
        %dma_wait3A_182 = arith.constant 0 : i32
        %dma_wait3A_183 = tpu.memref_slice %arg5[%add3A_142, %dma_wait3A_182] : memref<8192x1024xf32, #tpu.memory_space<hbm>> -> memref<16x1024xf32, #tpu.memory_space<hbm>>
        %dma_wait3A_184 = arith.constant 0 : i32
        %dma_wait3A_185 = tpu.memref_slice %arg5[%add3A_142, %dma_wait3A_184] : memref<8192x1024xf32, #tpu.memory_space<hbm>> -> memref<16x1024xf32, #tpu.memory_space<hbm>>
        %dma_wait3A_186 = arith.constant 0 : i32
        %dma_wait3A_187 = arith.constant 0 : i32
        %dma_wait3A_188 = tpu.memref_slice %arg9[%dma_wait3A_177, %dma_wait3A_186, %dma_wait3A_187] : memref<2x16x1024xf32, #tpu.memory_space<vmem>> -> memref<1x16x1024xf32, #tpu.memory_space<vmem>>
        %dma_wait3A_189 = tpu.memref_squeeze %dma_wait3A_188 : memref<1x16x1024xf32, #tpu.memory_space<vmem>> -> memref<16x1024xf32, #tpu.memory_space<vmem>>
        tpu.wait_dma2 semaphore(%arg15 : memref<!tpu.dma_semaphore, #tpu.memory_space<semaphore_mem>>) src(%dma_wait3A_189 : memref<16x1024xf32, #tpu.memory_space<vmem>>) dst(%dma_wait3A_185 : memref<16x1024xf32, #tpu.memory_space<hbm>>)
      } else {
      }
      %parallel_loop3A_161 = arith.constant 0 : i32
      %parallel_loop3A_162 = arith.constant 1024 : i32
      %parallel_loop3A_163 = arith.constant 1 : i32
      scf.for %parallel_loop3A_177 = %parallel_loop3A_161 to %parallel_loop3A_162 step %parallel_loop3A_163  : i32 {
        %parallel_loop3A_178 = arith.constant 6 : i32
        %parallel_loop3A_179 = arith.shrsi %parallel_loop3A_177, %parallel_loop3A_178 : i32
        %parallel_loop3A_180 = arith.constant 6 : i32
        %parallel_loop3A_181 = arith.shli %parallel_loop3A_179, %parallel_loop3A_180 : i32
        %parallel_loop3A_182 = arith.subi %parallel_loop3A_177, %parallel_loop3A_181 : i32
        %parallel_loop3A_183 = arith.constant 16 : i32
        %parallel_loop3A_184 = arith.muli %parallel_loop3A_182, %parallel_loop3A_183 : i32
        %parallel_loop3A_185 = arith.constant 1 : i32
        %parallel_loop3A_186 = arith.index_cast %parallel_loop3A_185 : i32 to index
        %parallel_loop3A_187 = arith.index_cast %parallel_loop3A_179 : i32 to index
        %parallel_loop3A_188 = arith.index_cast %parallel_loop3A_184 : i32 to index
        %parallel_loop3A_189 = tpu.vector_load %arg7[%parallel_loop3A_186, %parallel_loop3A_187, %parallel_loop3A_188] {strides = array<i32>} : memref<2x16x1024xf32, #tpu.memory_space<vmem>>, vector<1x1x16xf32>,
        %parallel_loop3A_190 = vector.shape_cast %parallel_loop3A_189 : vector<1x1x16xf32> to vector<16xf32>
        %parallel_loop3A_191 = arith.constant 3.200000e+01 : f32
        %parallel_loop3A_192 = vector.broadcast %parallel_loop3A_191 : f32 to vector<16xf32>
        %parallel_loop3A_193 = arith.mulf %parallel_loop3A_190, %parallel_loop3A_192 : vector<16xf32>
        %parallel_loop3A_194 = arith.constant 1 : i32
        %parallel_loop3A_195 = arith.index_cast %parallel_loop3A_194 : i32 to index
        %parallel_loop3A_196 = arith.index_cast %parallel_loop3A_179 : i32 to index
        %parallel_loop3A_197 = arith.index_cast %parallel_loop3A_184 : i32 to index
        %parallel_loop3A_198 = tpu.vector_load %arg8[%parallel_loop3A_195, %parallel_loop3A_196, %parallel_loop3A_197] {strides = array<i32>} : memref<2x16x1024xf32, #tpu.memory_space<vmem>>, vector<1x1x16xf32>,
        %parallel_loop3A_199 = vector.shape_cast %parallel_loop3A_198 : vector<1x1x16xf32> to vector<16xf32>
        %parallel_loop3A_200 = arith.addf %parallel_loop3A_193, %parallel_loop3A_199 : vector<16xf32>
        %parallel_loop3A_201 = arith.constant 1 : i32
        %parallel_loop3A_202 = arith.index_cast %parallel_loop3A_201 : i32 to index
        %parallel_loop3A_203 = arith.index_cast %parallel_loop3A_179 : i32 to index
        %parallel_loop3A_204 = arith.index_cast %parallel_loop3A_184 : i32 to index
        %parallel_loop3A_205 = tpu.vector_load %arg9[%parallel_loop3A_202, %parallel_loop3A_203, %parallel_loop3A_204] {strides = array<i32>} : memref<2x16x1024xf32, #tpu.memory_space<vmem>>, vector<1x1x16xf32>,
        %parallel_loop3A_206 = vector.shape_cast %parallel_loop3A_205 : vector<1x1x16xf32> to vector<16xf32>
        %parallel_loop3A_207 = vector.shape_cast %parallel_loop3A_200 : vector<16xf32> to vector<1x1x16xf32>
        tpu.vector_store %arg9[%parallel_loop3A_202, %parallel_loop3A_203, %parallel_loop3A_204], %parallel_loop3A_207 {strides = array<i32>} : memref<2x16x1024xf32, #tpu.memory_space<vmem>>, vector<1x1x16xf32>,
      } {sc.loop_unroll_factor = 4 : i64, sc.parallel_access}
      %dma_start3A_164 = arith.constant 1 : i32
      %dma_start3A_165 = arith.constant 0 : i32
      %dma_start3A_166 = arith.constant 0 : i32
      %dma_start3A_167 = tpu.memref_slice %arg9[%dma_start3A_164, %dma_start3A_165, %dma_start3A_166] : memref<2x16x1024xf32, #tpu.memory_space<vmem>> -> memref<1x16x1024xf32, #tpu.memory_space<vmem>>
      %dma_start3A_168 = tpu.memref_squeeze %dma_start3A_167 : memref<1x16x1024xf32, #tpu.memory_space<vmem>> -> memref<16x1024xf32, #tpu.memory_space<vmem>>
      %dma_start3A_169 = arith.constant 0 : i32
      %dma_start3A_170 = tpu.memref_slice %arg5[%add3A_142, %dma_start3A_169] : memref<8192x1024xf32, #tpu.memory_space<hbm>> -> memref<16x1024xf32, #tpu.memory_space<hbm>>
      %dma_start3A_171 = arith.constant 0 : i32
      %dma_start3A_172 = tpu.memref_slice %arg5[%add3A_142, %dma_start3A_171] : memref<8192x1024xf32, #tpu.memory_space<hbm>> -> memref<16x1024xf32, #tpu.memory_space<hbm>>
      %dma_start3A_173 = arith.constant 0 : i32
      %dma_start3A_174 = arith.constant 0 : i32
      %dma_start3A_175 = tpu.memref_slice %arg9[%dma_start3A_164, %dma_start3A_173, %dma_start3A_174] : memref<2x16x1024xf32, #tpu.memory_space<vmem>> -> memref<1x16x1024xf32, #tpu.memory_space<vmem>>
      %dma_start3A_176 = tpu.memref_squeeze %dma_start3A_175 : memref<1x16x1024xf32, #tpu.memory_space<vmem>> -> memref<16x1024xf32, #tpu.memory_space<vmem>>
      tpu.enqueue_dma source(%dma_start3A_176 : memref<16x1024xf32, #tpu.memory_space<vmem>>) target(%dma_start3A_172 : memref<16x1024xf32, #tpu.memory_space<hbm>>) target_semaphore(%arg15 : memref<!tpu.dma_semaphore, #tpu.memory_space<semaphore_mem>>)
    }
    %scan3A_33 = arith.constant 8 : i32
    %add3A_34 = arith.constant 224 : i32
    %add3A_35 = arith.addi %mul3A_2, %add3A_34 : i32
    %dma_wait3A = arith.constant 0 : i32
    %dma_wait3A_36 = arith.constant 0 : i32
    %dma_wait3A_37 = arith.constant 0 : i32
    %dma_wait3A_38 = tpu.memref_slice %arg9[%dma_wait3A, %dma_wait3A_36, %dma_wait3A_37] : memref<2x16x1024xf32, #tpu.memory_space<vmem>> -> memref<1x16x1024xf32, #tpu.memory_space<vmem>>
    %dma_wait3A_39 = tpu.memref_squeeze %dma_wait3A_38 : memref<1x16x1024xf32, #tpu.memory_space<vmem>> -> memref<16x1024xf32, #tpu.memory_space<vmem>>
    %dma_wait3A_40 = arith.constant 0 : i32
    %dma_wait3A_41 = tpu.memref_slice %arg5[%add3A_35, %dma_wait3A_40] : memref<8192x1024xf32, #tpu.memory_space<hbm>> -> memref<16x1024xf32, #tpu.memory_space<hbm>>
    %dma_wait3A_42 = arith.constant 0 : i32
    %dma_wait3A_43 = tpu.memref_slice %arg5[%add3A_35, %dma_wait3A_42] : memref<8192x1024xf32, #tpu.memory_space<hbm>> -> memref<16x1024xf32, #tpu.memory_space<hbm>>
    %dma_wait3A_44 = arith.constant 0 : i32
    %dma_wait3A_45 = arith.constant 0 : i32
    %dma_wait3A_46 = tpu.memref_slice %arg9[%dma_wait3A, %dma_wait3A_44, %dma_wait3A_45] : memref<2x16x1024xf32, #tpu.memory_space<vmem>> -> memref<1x16x1024xf32, #tpu.memory_space<vmem>>
    %dma_wait3A_47 = tpu.memref_squeeze %dma_wait3A_46 : memref<1x16x1024xf32, #tpu.memory_space<vmem>> -> memref<16x1024xf32, #tpu.memory_space<vmem>>
    tpu.wait_dma2 semaphore(%arg14 : memref<!tpu.dma_semaphore, #tpu.memory_space<semaphore_mem>>) src(%dma_wait3A_47 : memref<16x1024xf32, #tpu.memory_space<vmem>>) dst(%dma_wait3A_43 : memref<16x1024xf32, #tpu.memory_space<hbm>>)
    %add3A_48 = arith.constant 240 : i32
    %add3A_49 = arith.addi %mul3A_2, %add3A_48 : i32
    %dma_wait3A_50 = arith.constant 1 : i32
    %dma_wait3A_51 = arith.constant 0 : i32
    %dma_wait3A_52 = arith.constant 0 : i32
    %dma_wait3A_53 = tpu.memref_slice %arg9[%dma_wait3A_50, %dma_wait3A_51, %dma_wait3A_52] : memref<2x16x1024xf32, #tpu.memory_space<vmem>> -> memref<1x16x1024xf32, #tpu.memory_space<vmem>>
    %dma_wait3A_54 = tpu.memref_squeeze %dma_wait3A_53 : memref<1x16x1024xf32, #tpu.memory_space<vmem>> -> memref<16x1024xf32, #tpu.memory_space<vmem>>
    %dma_wait3A_55 = arith.constant 0 : i32
    %dma_wait3A_56 = tpu.memref_slice %arg5[%add3A_49, %dma_wait3A_55] : memref<8192x1024xf32, #tpu.memory_space<hbm>> -> memref<16x1024xf32, #tpu.memory_space<hbm>>
    %dma_wait3A_57 = arith.constant 0 : i32
    %dma_wait3A_58 = tpu.memref_slice %arg5[%add3A_49, %dma_wait3A_57] : memref<8192x1024xf32, #tpu.memory_space<hbm>> -> memref<16x1024xf32, #tpu.memory_space<hbm>>
    %dma_wait3A_59 = arith.constant 0 : i32
    %dma_wait3A_60 = arith.constant 0 : i32
    %dma_wait3A_61 = tpu.memref_slice %arg9[%dma_wait3A_50, %dma_wait3A_59, %dma_wait3A_60] : memref<2x16x1024xf32, #tpu.memory_space<vmem>> -> memref<1x16x1024xf32, #tpu.memory_space<vmem>>
    %dma_wait3A_62 = tpu.memref_squeeze %dma_wait3A_61 : memref<1x16x1024xf32, #tpu.memory_space<vmem>> -> memref<16x1024xf32, #tpu.memory_space<vmem>>
    tpu.wait_dma2 semaphore(%arg15 : memref<!tpu.dma_semaphore, #tpu.memory_space<semaphore_mem>>) src(%dma_wait3A_62 : memref<16x1024xf32, #tpu.memory_space<vmem>>) dst(%dma_wait3A_58 : memref<16x1024xf32, #tpu.memory_space<hbm>>)
    return
  }
}

</mosaic_0001>

<sc_bundles>
// kernel: kernel.3.cloned.1.call-start
scs
__scs_entry_jumppad:
0x0: {  	(pc) =	sbr.rel $0x88, $3  }
0x1: {  	(tag) =	ssettag $0x0;
	lr =	simm.s32 $0x1  }
0x2: {  	[smem:$0x3F9E] =	sst lr;
	_ =	strace $0xD0000000  }
0x3: {  	_ = 	snop  }
0x4: {  	_ = 	snop  }
0x5: {  	_ = 	snop  }
0x6: {  	_ = 	snop  }
0x7: {  	_ = 	snop  }
__scs_overlays_trampoline_lowered:
0x8: {  	[smem:$0x3FAD] =	sst s0  }
0x9: {  	[smem:$0x3FAE] =	sst s1  }
0xa: {  	[smem:$0x3FAF] =	sst s2  }
0xb: {  	[smem:$0x3FB0] =	sst s3  }
0xc: {  	[smem:$0x3FB1] =	sst s4  }
0xd: {  	[smem:$0x3FB2] =	sst s5  }
0xe: {  	[smem:$0x3FB3] =	sst s6  }
0xf: {  	[smem:$0x3FB4] =	sst s7  }
0x10: {  	[smem:$0x3FB5] =	sst s8  }
0x11: {  	[smem:$0x3FB6] =	sst s9;
	s0 =	simm.s32 @!p0 $0x0  }
0x12: {  	s1 =	sld [smem:$0x3F9C];
	s0 =	simm.s32 @p0 $0x1  }
0x13: {  	[smem:$0x3FB7] =	sst s0;
	s0 =	simm.s32 @!p1 $0x0  }
0x14: {  	s2 =	sld [smem:$0x3F9B];
	s0 =	simm.s32 @p1 $0x1  }
0x15: {  	[smem:$0x3FB8] =	sst s0;
	s0 =	simm.s32 @!p2 $0x0  }
0x16: {  	s3 =	sld [smem:$0x3FDB];
	s0 =	simm.s32 @p2 $0x1  }
0x17: {  	s4 =	simm.s32 $0x1BF5;
	[smem:$0x3FBA] =	sst s0  }
0x18: {  	s0 =	sld [smem:$0x3F9D];
	_ =	swait.ge [sflag:s4], $0x0  }
0x19: {  	s7 =	sld [smem:$0x3F9E]  }
0x1a: {  	s8 =	sadd.s32 $0xFFFFE003, lr  }
0x1b: {  	s9 =	sadd.s32 $0xFFFFFEF7, lr;
	s5 =	simm.s32 $0xFFFFFFFF;
	p2 =	slt.u32 s8, $0xFFFFF086  }
0x1c: {  	p1 =	slt.u32 s9, $0xF7A;
	s5 =	simm.s32 @!p2 $0x0  }
0x1d: {  	s5 =	simm.s32 @p1 $0x1;
	p0 =	seq.s32 s7, s2  }
0x1e: {  	s7 =	smul.u32 @!p0 $0xF7A, s2;
	p2 =	seq.s32 @!p0 s5, $0x0  }
0x1f: {  	s9 =	smul.u32 $0xF7A, s1;
	s8 =	simm.s32 @!p0 $0x1BF5;
	p2 =	por !p2, p0  }
0x20: {  	[sflag:s8] =	ssyncset.s32 @!p0 $0xFFFFF086;
	s6 =	sadd.s32 @!p0 s3, s7;
	s7 =	simm.s32 @!p0 $0x108  }
0x21: {  	s3 =	sadd.s32 s3, s9;
	s6 =	sadd.s32 @!p0 $0x88, s6;
	s7 =	simm.s32 @p2 $0x1082  }
0x22: {  	[simem:s7], [sflag:s8] =	dma.local @!p0 [hbm:s6], $0xF7A  }
0x23: {  	s9 =	sor.u32 $0xD0000000, s2;
	s6 =	simm.s32 $0x108;
	_ =	swait.ge @!p0 [sflag:s8], $0x0  }
0x24: {  	s3 =	sadd.s32 $0x88, s3;
	s6 =	simm.s32 @!p1 $0x1082;
	[sflag:s4] =	ssyncset.s32 $0xFFFFF086  }
0x25: {  	[simem:s6], [sflag:s4] =	dma.local [hbm:s3], $0xF7A  }
0x26: {  	[smem:$0x3F9E] =	sst s1;
	(tag) =	ssettag s2;
	_ =	strace s9  }
0x27: {  	s1 =	sld [smem:$0x3FAE]  }
0x28: {  	s2 =	sld [smem:$0x3FAF]  }
0x29: {  	s4 =	sld [smem:$0x3FB1]  }
0x2a: {  	p0 =	seq.s32 s5, $0x0;
	s5 =	sld [smem:$0x3FB2]  }
0x2b: {  	s6 =	sld [smem:$0x3FB3]  }
0x2c: {  	s7 =	sld [smem:$0x3FB4]  }
0x2d: {  	s3 =	simm.s32 $0x108;
	s8 =	sld [smem:$0x3FB5]  }
0x2e: {  	s3 =	simm.s32 @!p0 $0x1082;
	s9 =	sld [smem:$0x3FB6]  }
0x2f: {  	lr =	sadd.s32 s0, s3;
	s0 =	sld [smem:$0x3FAD]  }
0x30: {  	s3 =	sld [smem:$0x3FB0]  }
0x31: {  	[smem:$0x3FB9] =	sst s10  }
0x32: {  	s10 =	sld [smem:$0x3FB7];
	_ =	sdelay $0x3  }
0x33: {  	p0 =	seq.s32 s10, $0x1;
	s10 =	sld [smem:$0x3FB9];
	_ =	sdelay $0x3  }
0x34: {  	[smem:$0x3FB9] =	sst s10  }
0x35: {  	s10 =	sld [smem:$0x3FB8];
	_ =	sdelay $0x3  }
0x36: {  	p1 =	seq.s32 s10, $0x1;
	s10 =	sld [smem:$0x3FB9];
	_ =	sdelay $0x3  }
0x37: {  	[smem:$0x3FB9] =	sst s10  }
0x38: {  	s10 =	sld [smem:$0x3FBA]  }
0x39: {  	_ = 	snop;
	(pc) =	sbr.ind lr, $3  }
0x3a: {  	_ = 	snop  }
0x3b: {  	_ = 	snop  }
0x3c: {  	p2 =	seq.s32 s10, $0x1;
	s10 =	sld [smem:$0x3FB9]  }
0x3d: {  	_ =	shalt  }
0x3e: {  	_ =	shalt  }
0x3f: {  	_ =	shalt  }
0x40: {  	_ =	shalt  }
0x41: {  	_ =	shalt  }
0x42: {  	_ =	shalt  }
0x43: {  	_ =	shalt  }
0x44: {  	_ =	shalt  }
0x45: {  	_ =	shalt  }
0x46: {  	_ =	shalt  }
0x47: {  	_ =	shalt  }
0x48: {  	_ =	shalt  }
0x49: {  	_ =	shalt  }
0x4a: {  	_ =	shalt  }
0x4b: {  	_ =	shalt  }
0x4c: {  	_ =	shalt  }
0x4d: {  	_ =	shalt  }
0x4e: {  	_ =	shalt  }
0x4f: {  	_ =	shalt  }
0x50: {  	_ =	shalt  }
0x51: {  	_ =	shalt  }
0x52: {  	_ =	shalt  }
0x53: {  	_ =	shalt  }
0x54: {  	_ =	shalt  }
0x55: {  	_ =	shalt  }
0x56: {  	_ =	shalt  }
0x57: {  	_ =	shalt  }
0x58: {  	_ =	shalt  }
0x59: {  	_ =	shalt  }
0x5a: {  	_ =	shalt  }
0x5b: {  	_ =	shalt  }
0x5c: {  	_ =	shalt  }
0x5d: {  	_ =	shalt  }
0x5e: {  	_ =	shalt  }
0x5f: {  	_ =	shalt  }
0x60: {  	_ =	shalt  }
0x61: {  	_ =	shalt  }
0x62: {  	_ =	shalt  }
0x63: {  	_ =	shalt  }
0x64: {  	_ =	shalt  }
0x65: {  	_ =	shalt  }
0x66: {  	_ =	shalt  }
0x67: {  	_ =	shalt  }
0x68: {  	_ =	shalt  }
0x69: {  	_ =	shalt  }
0x6a: {  	_ =	shalt  }
0x6b: {  	_ =	shalt  }
0x6c: {  	_ =	shalt  }
0x6d: {  	_ =	shalt  }
0x6e: {  	_ =	shalt  }
0x6f: {  	_ =	shalt  }
0x70: {  	_ =	shalt  }
0x71: {  	_ =	shalt  }
0x72: {  	_ =	shalt  }
0x73: {  	_ =	shalt  }
0x74: {  	_ =	shalt  }
0x75: {  	_ =	shalt  }
0x76: {  	_ =	shalt  }
0x77: {  	_ =	shalt  }
0x78: {  	_ =	shalt  }
0x79: {  	_ =	shalt  }
0x7a: {  	_ =	shalt  }
0x7b: {  	_ =	shalt  }
0x7c: {  	_ =	shalt  }
0x7d: {  	_ =	shalt  }
0x7e: {  	_ =	shalt  }
0x7f: {  	_ =	shalt  }
0x80: {  	_ =	shalt  }
0x81: {  	_ =	shalt  }
0x82: {  	_ =	shalt  }
0x83: {  	_ =	shalt  }
0x84: {  	_ =	shalt  }
0x85: {  	_ =	shalt  }
0x86: {  	_ =	shalt  }
0x87: {  	_ =	shalt  }
.Lfunc_end0:
.L_simem_size_0:
called_computation_lowered:
.L_overlay_start_0:
0x88: {  	s2 =	sld [smem:$0x3FD9]  }
0x89: {  	s3 =	sld [smem:$0x3FFE];
	_ =	sdelay $0x1  }
0x8a: {  	s1 =	srdreg.scid  }
0x8b: {  	s0 =	sand.u32 $0x1, s1  }
0x8c: {  	s17 =	sshll.u32 s0, $0xA;
	s2 =	sadd.s32 s3, s2  }
0x8d: {  	s2 =	sadd.s32 s2, s17  }
0x8e: {  	[smem:$0x3FC5] =	sst s2  }
0x8f: {  	_ = 	snop  }
0x90: {  	s2 =	sld [smem:$0x3FC9]  }
0x91: {  	s18 =	sld [smem:$0x3FC7]  }
0x92: {  	s4 =	sld [smem:$0x3FD0];
	(tm) =	ssettm $0x1  }
0x93: {  	s5 =	sld [smem:$0x3FFB];
	_ =	sdelay $0x3  }
0x94: {  	_ =	strace s5  }
0x95: {  	s5 =	sld [smem:$0x3FFC];
	_ =	sdelay $0x3  }
0x96: {  	_ =	strace s5  }
0x97: {  	s5 =	sld [smem:$0x3FFD];
	_ =	sdelay $0x3  }
0x98: {  	_ =	strace s5  }
0x99: {  	_ =	strace $0x8FFFFFFF  }
0x9a: {  	s19 =	sld [smem:$0x3FDB];
	_ =	sdelay $0x1  }
0x9b: {  	s6 =	simm.s32 $_scs_section_size  }
0x9c: {  	s7 =	simm.s32 $_size__tile_overlayer_lowered;
	s8 =	simm.s32 $_tile_overlayer_lowered  }
0x9d: {  	s22 =	simm.s32 $0x1BFF;
	s21 =	sshll.u32 s8, $0x1;
	s5 =	sadd.s32 s6, s19  }
0x9e: {  	s9 =	simm.s32 $0x0;
	s20 =	sshll.u32 s7, $0x1;
	s7 =	sadd.s32 s21, s5  }
0x9f: {  	[timem:s9], [sflag:s22] =	dma.local [hbm:s7], s20  }
0xa0: {  	_ =	swait.ge [sflag:s22], s20  }
0xa1: {  	s6 =	ssub.s32 $0x0, s20;
	[sflag:s22] =	ssyncset.done $0x0  }
0xa2: {  	[sflag:s22] =	ssyncadd.s32 s6;
	_ =	sdelay $0x1  }
0xa3: {  	s23 =	simm.s32 $0x1B8B  }
0xa4: {  	_ =	swait.ge [sflag:s23], $0x1  }
0xa5: {  	[sflag:s23] =	ssyncset.done $0x0  }
0xa6: {  	s25 =	simm.s32 $0x1B8E;
	s24 =	sld [smem:$0x3FFE];
	[sflag:s23] =	ssyncadd.s32 $0xFFFFFFFF  }
0xa7: {  	s26 =	simm.s32 $execute0_lowered;
	[smem:$0x3FD2] =	sst s25  }
0xa8: {  	s7 =	sshll.u32 s26, $0x1;
	_ =	strace $0x80000046;
	[dreg:$0x1] =	wrdreg $0xFFFFFFFF  }
0xa9: {  	s28 =	simm.s32 $_size_execute0_lowered;
	s5 =	sadd.s32 s5, s7;
	[dreg:$0x0] =	wrdreg $0x0  }
0xaa: {  	s7 =	sshll.u32 s28, $0x1;
	[dreg:$0x2] =	wrdreg s5  }
0xab: {  	[dreg:$0x3] =	wrdreg s7  }
0xac: {  	[dreg:$0x4] =	wrdreg $0xC0  }
0xad: {  	_ =	task [dreg:s9], $0x5FFFF  }
0xae: {  	[dreg:$0x1] =	wrdreg $0xFFFFFFFF  }
0xaf: {  	[dreg:$0x0] =	wrdreg $0x60  }
0xb0: {  	[dreg:$0x2] =	wrdreg s2  }
0xb1: {  	[dreg:$0x3] =	wrdreg s24  }
0xb2: {  	[dreg:$0x4] =	wrdreg s18  }
0xb3: {  	[dreg:$0x5] =	wrdreg s4  }
0xb4: {  	[dreg:$0x6] =	wrdreg $0x9  }
0xb5: {  	_ =	task.clear_ibuf [dreg:s9], $0x7FFFF;
	_ =	strace $0x90000046  }
0xb6: {  	s29 =	simm.s32 $0x9;
	_ =	strace $0x80000048  }
0xb7: {  	_ =	swait.ge [sflag:s29], $0x1  }
0xb8: {  	[sflag:s29] =	ssyncadd.s32 $0xFFFFFFFF  }
0xb9: {  	_ =	strace $0x90000048  }
0xba: {  	_ =	sfence  }
0xbb: {  	s30 =	sld [smem:$0x0];
	_ =	sdelay $0x2  }
0xbc: {  	s31 =	sshll.u32 s1, $0xD;
	s1 =	sshrl.u32 s1, $0x2  }
0xbd: {  	s3 =	sand.u32 $0x4000, s31;
	s1 =	sadd.s32 s1, s30  }
0xbe: {  	s0 =	sor.u32 s3, s0;
	s1 =	sshll.u32 s1, $0x11  }
0xbf: {  	s0 =	sor.u32 s1, s0  }
0xc0: {  	s0 =	sadd.s32 $0x8F2B, s0  }
0xc1: {  	[sflag:s0] =	ssyncadd.remote.s32 $0x1  }
0xc2: {  	_ =	sfence.sel $0xFFFF  }
0xc3: {  	[dreg:$0x0] =	wrdreg $0xFFFFFFFF;
	(pc) =	sbr.abs _section_cstart, $3  }
0xc4: {  	[dreg:$0x1] =	wrdreg $0xFFFFFFFF  }
0xc5: {  	_ =	task.clear_ibuf [dreg:s9], $0x2FFFF;
	_ =	strace $0x9FFFFFFF  }
0xc6: {  	(tm) =	ssettm $0x7FFFFFFF  }
0xc7: {  	_ =	shalt  }
tec
execute0_lowered:
.L_overlay_start_1:
0x0: {  	(tag) =	ssettag $0x1  }
0x1: {  	s7 =	rddreg [dreg:$0x0]  }
0x2: {  	s0 =	rddreg [dreg:$0x1]  }
0x3: {  	s3 =	rddreg [dreg:$0x2]  }
0x4: {  	s12 =	rddreg [dreg:$0x3]  }
0x5: {  	s1 =	srdreg.scid;
	s4 =	stileid.u32  }
0x6: {  	s5 =	simm.s32 $0x0;
	s28 =	simm.s32 $0xE000;
	s29 =	simm.s32 $0xE800  }
0x7: {  	s30 =	simm.s32 $0xF000;
	s31 =	simm.s32 $0xF800;
	s15 =	simm.s32 $0x1  }
0x8: {  	s16 =	simm.s32 $0x3;
	s17 =	simm.s32 $0x10800;
	s18 =	simm.s32 $0x2  }
0x9: {  	s19 =	simm.s32 $0x4;
	s20 =	simm.s32 $0x14800;
	s1 =	sand.u32 $0x1, s1  }
0xa: {  	s4 =	sshll.u32 s4, $0x1;
	[smem:$0x7FF] =	sst s5;
	s8 =	sadd.s32 $0x100, s3  }
0xb: {  	s9 =	sadd.s32 $0x200, s3;
	s2 =	ssub.s32 $0x2, s1;
	s1 =	sor.u32 s1, s4  }
0xc: {  	s10 =	sadd.s32 $0x300, s3;
	s6 =	sshrl.u32 s2, $0x1;
	s4 =	sshll.u32 s1, $0x8  }
0xd: {  	s2 =	ssub.s32 s2, s6;
	s6 =	sshll.u32 s1, $0xF;
	s0 =	sadd.s32 s0, s4  }
0xe: {  	v2 =	vlaneseq.u32;
	_ =	strace $0x80000047;
	[dreg:$0x5] =	wrdreg s0;
	s11 =	sadd.s32 s7, s6  }
0xf: {  	vm0 =	vmmov $0xffff;
	v1 =	vshrl.u32 v2, $0x3;
	s12 =	sadd.s32 s12, s6;
	s26 =	smax.u32 s2, $0x1;
	s0 =	simm.s32 $0x10000  }
0x10: {  	v0 =	vand.u32 $0x7, v2;
	v2 =	vor.u32 $0x8, v2;
	v1 =	vmul.u32 $0x8, v1;
	s2 =	simm.s32 $0x4800;
	s7 =	simm.s32 $0x0;
	[dreg:$0x6] =	wrdreg s26  }
.LBB2_1:
0x11: {  	[dreg:$0x7] =	wrdreg s7  }
0x12: {  	s1 =	rddreg [dreg:$0x5];
	s4 =	simm.s32 $0x7  }
0x13: {  	[tilespmem:s5], [sflag:$0x7] =	stream.linear.gather [hbm4b:s1+s5], $0x800, $0x38;
	[tilespmem:$0x18800] =	vst v63  }
0x14: {  	_ =	swait.ge [sflag:s4], $0x800  }
0x15: {  	[sflag:s4] =	ssyncset.done $0x0  }
0x16: {  	[sflag:s4] =	ssyncadd.s32 $0xFFFFF800  }
0x17: {  	v3 =	vld [tilespmem:$0x0];
	_ =	sdelay $0x4  }
0x18: {  	v4 =	vshll.u32 v3, $0x3  }
0x19: {  	v3 =	vand.u32 $0x7, v3;
	v4 =	vand.u32 $0xFFFFFFC0, v4  }
0x1a: {  	v3 =	vor.u32 v3, v4  }
0x1b: {  	v4 =	vperm.xlane v3, v0;
	_ =	sdelay $0x1  }
0x1c: {  	v4 =	vadd.s32 v1, v4;
	_ =	sdelay $0x3  }
0x1d: {  	s7 =	simm.s32 $0x8800  }
0x1e: {  	[tilespmem:s7], [sflag:$0x1] =	stream.indirect_vreg.gather [hbm4b:s3+s5], $0x80, v4, vm0, $0xb8;
	[tilespmem:$0x18800] =	vst v63  }
0x1f: {  	s13 =	simm.s32 $0x9000;
	v3 =	vperm.xlane v3, v2  }
0x20: {  	[tilespmem:s13], [sflag:$0x1] =	stream.indirect_vreg.gather [hbm4b:s8+s5], $0x80, v4, vm0, $0xb8;
	[tilespmem:$0x18800] =	vst v63  }
0x21: {  	s14 =	simm.s32 $0x9800;
	v3 =	vadd.s32 v1, v3  }
0x22: {  	[tilespmem:s14], [sflag:$0x1] =	stream.indirect_vreg.gather [hbm4b:s9+s5], $0x80, v4, vm0, $0xb8;
	[tilespmem:$0x18800] =	vst v63  }
0x23: {  	s21 =	simm.s32 $0xA000  }
0x24: {  	[tilespmem:s21], [sflag:$0x1] =	stream.indirect_vreg.gather [hbm4b:s10+s5], $0x80, v4, vm0, $0xb8;
	[tilespmem:$0x18800] =	vst v63  }
0x25: {  	s22 =	simm.s32 $0xA800  }
0x26: {  	[tilespmem:s22], [sflag:$0x1] =	stream.indirect_vreg.gather [hbm4b:s3+s5], $0x80, v3, vm0, $0xb8;
	[tilespmem:$0x18800] =	vst v63  }
0x27: {  	s23 =	simm.s32 $0xB000  }
0x28: {  	[tilespmem:s23], [sflag:$0x1] =	stream.indirect_vreg.gather [hbm4b:s8+s5], $0x80, v3, vm0, $0xb8;
	[tilespmem:$0x18800] =	vst v63  }
0x29: {  	s24 =	simm.s32 $0xB800  }
0x2a: {  	[tilespmem:s24], [sflag:$0x1] =	stream.indirect_vreg.gather [hbm4b:s9+s5], $0x80, v3, vm0, $0xb8;
	[tilespmem:$0x18800] =	vst v63  }
0x2b: {  	s25 =	simm.s32 $0xC000  }
0x2c: {  	[tilespmem:s25], [sflag:$0x1] =	stream.indirect_vreg.gather [hbm4b:s10+s5], $0x80, v3, vm0, $0xb8;
	[tilespmem:$0x18800] =	vst v63  }
0x2d: {  	s26 =	simm.s32 $0x800;
	s7 =	simm.s32 $0x0  }
0x2e: {  	[tilespmem:s26], [sflag:$0x3] =	stream.linear.gather [hbm4b:s11+s5], $0x4000, $0x38;
	[tilespmem:$0x18800] =	vst v63  }
.LBB2_2:
0x2f: {  	s1 =	sshllo.u32 s7, $0x1  }
0x30: {  	s4 =	sshll.u32 s1, $0x7  }
0x31: {  	s4 =	sand.u32 $0x3FFFFF80, s4  }
0x32: {  	v3 =	vld [tilespmem:s4+$0x0];
	_ =	sdelay $0x4  }
0x33: {  	v4 =	vshll.u32 v3, $0x3  }
0x34: {  	v3 =	vand.u32 $0x7, v3;
	v4 =	vand.u32 $0xFFFFFFC0, v4  }
0x35: {  	v3 =	vor.u32 v3, v4  }
0x36: {  	v4 =	vperm.xlane v3, v0;
	_ =	sdelay $0x1  }
0x37: {  	v4 =	vadd.s32 v1, v4;
	_ =	sdelay $0x3  }
0x38: {  	s21 =	simm.s32 $0xC800  }
0x39: {  	[tilespmem:s21], [sflag:$0x2] =	stream.indirect_vreg.gather [hbm4b:s3+s5], $0x80, v4, vm0, $0xb8;
	[tilespmem:$0x18800] =	vst v63  }
0x3a: {  	s22 =	simm.s32 $0xD000;
	v3 =	vperm.xlane v3, v2  }
0x3b: {  	[tilespmem:s22], [sflag:$0x2] =	stream.indirect_vreg.gather [hbm4b:s8+s5], $0x80, v4, vm0, $0xb8;
	[tilespmem:$0x18800] =	vst v63  }
0x3c: {  	s23 =	simm.s32 $0xD800;
	v3 =	vadd.s32 v1, v3  }
0x3d: {  	[tilespmem:s23], [sflag:$0x2] =	stream.indirect_vreg.gather [hbm4b:s9+s5], $0x80, v4, vm0, $0xb8;
	[tilespmem:$0x18800] =	vst v63  }
0x3e: {  	_ = 	snop  }
0x3f: {  	[tilespmem:s28], [sflag:$0x2] =	stream.indirect_vreg.gather [hbm4b:s10+s5], $0x80, v4, vm0, $0xb8;
	[tilespmem:$0x18800] =	vst v63  }
0x40: {  	_ = 	snop  }
0x41: {  	[tilespmem:s29], [sflag:$0x2] =	stream.indirect_vreg.gather [hbm4b:s3+s5], $0x80, v3, vm0, $0xb8;
	[tilespmem:$0x18800] =	vst v63  }
0x42: {  	_ = 	snop  }
0x43: {  	[tilespmem:s30], [sflag:$0x2] =	stream.indirect_vreg.gather [hbm4b:s8+s5], $0x80, v3, vm0, $0xb8;
	[tilespmem:$0x18800] =	vst v63  }
0x44: {  	s1 =	sshll.u32 s1, $0xB  }
0x45: {  	[tilespmem:s31], [sflag:$0x2] =	stream.indirect_vreg.gather [hbm4b:s9+s5], $0x80, v3, vm0, $0xb8;
	[tilespmem:$0x18800] =	vst v63  }
0x46: {  	s24 =	rddreg [dreg:$0x0];
	s13 =	sadd.s32 s6, s1  }
0x47: {  	[tilespmem:s0], [sflag:$0x2] =	stream.indirect_vreg.gather [hbm4b:s10+s5], $0x80, v3, vm0, $0xb8;
	[tilespmem:$0x18800] =	vst v63  }
0x48: {  	s1 =	sadd.s32 s24, s13  }
0x49: {  	[tilespmem:s2], [sflag:$0x4] =	stream.linear.gather [hbm4b:s1+s5], $0x4000, $0x38;
	[tilespmem:$0x18800] =	vst v63  }
0x4a: {  	_ =	swait.ge [sflag:s15], $0x4000  }
0x4b: {  	[sflag:s15] =	ssyncset.done $0x0  }
0x4c: {  	p0 =	seq.s32 s7, $0x0;
	[sflag:s15] =	ssyncadd.s32 $0xFFFFC000  }
0x4d: {  	s25 =	simm.s32 $0x0;
	s14 =	simm.s32 $0x0;
	_ =	swait.ge [sflag:s16], $0x4000  }
0x4e: {  	s14 =	sand.u32 $0x2000, s14;
	s21 =	sand.u32 $0x1C00, s25;
	[sflag:s16] =	ssyncset.done $0x0  }
0x4f: {  	s22 =	simm.s32 $0x0;
	s1 =	simm.s32 @!p0 $0x5;
	[sflag:s16] =	ssyncadd.s32 $0xFFFFC000  }
0x50: {  	s14 =	sor.u32 s21, s14;
	s26 =	sand.u32 $0x380, s22;
	_ =	swait.ge @!p0 [sflag:s1], $0x4000  }
0x51: {  	s4 =	sand.u32 $0x40, s25;
	s14 =	sor.u32 s26, s14;
	[sflag:s1] =	ssyncset.done @!p0 $0x0  }
0x52: {  	s14 =	sor.u32 s4, s14;
	[sflag:s1] =	ssyncadd.s32 @!p0 $0xFFFFC000  }
0x53: {  	v4 =	vld [tilespmem:s14+$0x830]  }
0x54: {  	v5 =	vld [tilespmem:s14+$0x800]  }
0x55: {  	v7 =	vld [tilespmem:s14+$0x8830]  }
0x56: {  	s22 =	simm.s32 $0x40;
	s23 =	simm.s32 $0x200;
	v9 =	vld [tilespmem:s14+$0x810]  }
0x57: {  	s25 =	simm.s32 $0x8;
	s24 =	sand.u32 $0x1C00, s23;
	s1 =	sand.u32 $0x2000, s22;
	v11 =	vld [tilespmem:s14+$0x820]  }
0x58: {  	s21 =	sand.u32 $0x380, s25;
	s4 =	sor.u32 s24, s1;
	v3 =	vld [tilespmem:s14+$0x8800];
	s1 =	simm.s32 $0x40;
	v8 =	vmul.f32 $3.200000000e+01, v4  }
0x59: {  	v6 =	vld [tilespmem:s14+$0x8810];
	s26 =	sand.u32 $0x40, s1;
	s4 =	sor.u32 s21, s4  }
0x5a: {  	s22 =	sor.u32 s26, s4;
	v4 =	vld [tilespmem:s14+$0x8820];
	v12 =	vadd.f32 v7, v8  }
0x5b: {  	v8 =	vmul.f32 $3.200000000e+01, v5;
	v7 =	vld [tilespmem:s22+$0x830]  }
0x5c: {  	s21 =	sshll.u32 s7, $0x1;
	s4 =	simm.s32 $0x4;
	v10 =	vmul.f32 $3.200000000e+01, v9;
	v9 =	vmul.f32 $3.200000000e+01, v11;
	v5 =	vld [tilespmem:s22+$0x800];
	[tilespmem:s14+$0x10830] =	vst v12  }
.LBB2_3:
0x5d: {  	s4 =	sadd.s32 $0x4, s4;
	v11 =	vld [tilespmem:s22+$0x8830];
	v3 =	vadd.f32 v3, v8;
	s23 =	sadd.s32 $0x200, s23  }
0x5e: {  	s1 =	sadd.s32 $0x40, s1;
	s24 =	sshll.u32 s4, $0x4;
	p1 =	slt.u32 s4, $0x3FC;
	v12 =	vld [tilespmem:s22+$0x810];
	v6 =	vadd.f32 v6, v10  }
0x5f: {  	s25 =	sand.u32 $0x1C00, s23;
	s26 =	sshll.u32 s4, $0x1;
	s24 =	sand.u32 $0x2000, s24;
	v13 =	vld [tilespmem:s22+$0x820];
	[tilespmem:s14+$0x10800] =	vst v3;
	v4 =	vadd.f32 v4, v9  }
.Ltmp0:
0x60: {  	s24 =	sor.u32 s25, s24;
	s25 =	sand.u32 $0x380, s26;
	v3 =	vld [tilespmem:s22+$0x8800];
	v7 =	vmul.f32 $3.200000000e+01, v7;
	[tilespmem:s14+$0x10810] =	vst v6;
	(pc) =	sbr.rel @p1 .LBB2_3-.Ltmp0, $4  }
0x61: {  	s26 =	sand.u32 $0x40, s1;
	s24 =	sor.u32 s25, s24;
	v8 =	vmul.f32 $3.200000000e+01, v5;
	v6 =	vld [tilespmem:s22+$0x8810];
	[tilespmem:s14+$0x10820] =	vst v4;
	s14 =	smov.u32 s22  }
0x62: {  	s22 =	sor.u32 s26, s24;
	v4 =	vld [tilespmem:s14+$0x8820];
	v11 =	vadd.f32 v11, v7  }
0x63: {  	v7 =	vld [tilespmem:s22+$0x830];
	v10 =	vmul.f32 $3.200000000e+01, v12  }
0x64: {  	v5 =	vld [tilespmem:s22+$0x800];
	v9 =	vmul.f32 $3.200000000e+01, v13;
	[tilespmem:s14+$0x10830] =	vst v11  }
0x65: {  	v11 =	vld [tilespmem:s22+$0x8830]  }
0x66: {  	v12 =	vld [tilespmem:s22+$0x810]  }
0x67: {  	v13 =	vld [tilespmem:s22+$0x820]  }
0x68: {  	v14 =	vld [tilespmem:s22+$0x8800]  }
0x69: {  	v3 =	vadd.f32 v3, v8;
	v8 =	vld [tilespmem:s22+$0x8810]  }
0x6a: {  	v6 =	vadd.f32 v6, v10;
	v10 =	vld [tilespmem:s22+$0x8820];
	v7 =	vmul.f32 $3.200000000e+01, v7  }
0x6b: {  	[tilespmem:s14+$0x10800] =	vst v3;
	v3 =	vadd.f32 v4, v9;
	v4 =	vmul.f32 $3.200000000e+01, v5  }
0x6c: {  	[tilespmem:s14+$0x10810] =	vst v6;
	v5 =	vadd.f32 v11, v7;
	v6 =	vmul.f32 $3.200000000e+01, v12  }
0x6d: {  	[tilespmem:s14+$0x10820] =	vst v3;
	v3 =	vmul.f32 $3.200000000e+01, v13;
	v4 =	vadd.f32 v14, v4  }
0x6e: {  	[tilespmem:s22+$0x10830] =	vst v5;
	v5 =	vadd.f32 v8, v6  }
0x6f: {  	v3 =	vadd.f32 v10, v3;
	[tilespmem:s22+$0x10800] =	vst v4  }
0x70: {  	s1 =	sshll.u32 s7, $0xC;
	[tilespmem:s22+$0x10810] =	vst v5  }
0x71: {  	p1 =	seq.s32 s7, $0x7;
	s1 =	sadd.s32 s1, s12;
	[tilespmem:s22+$0x10820] =	vst v3  }
0x72: {  	[hbm4b:s1+s5] =	stream.linear.scatter [tilespmem:s17], [sflag:$0x5], $0x4000, $0x38;
	[tilespmem:$0x18800] =	vst v63  }
0x73: {  	s1 =	sadd.s32 @!p1 $0x2, s21  }
0x74: {  	s4 =	sshll.u32 @!p1 s1, $0x7  }
0x75: {  	s4 =	sand.u32 @!p1 $0x3FFFFF80, s4  }
0x76: {  	v3 =	vld @!p1 [tilespmem:s4+$0x0];
	_ =	sdelay $0x4  }
0x77: {  	v4 =	vshll.u32 @!p1 v3, $0x3  }
0x78: {  	v5 =	vlaneseq.u32 @!p1;
	v3 =	vand.u32 @!p1 $0x7, v3;
	v4 =	vand.u32 @!p1 $0xFFFFFFC0, v4  }
0x79: {  	v6 =	vshrl.u32 @!p1 v5, $0x3;
	v3 =	vor.u32 @!p1 v3, v4;
	v4 =	vand.u32 @!p1 $0x7, v5  }
0x7a: {  	v6 =	vmul.u32 @!p1 $0x8, v6;
	v4 =	vperm.xlane @!p1 v3, v4;
	_ =	sdelay $0x1  }
0x7b: {  	v4 =	vadd.s32 @!p1 v6, v4;
	_ =	sdelay $0x3  }
0x7c: {  	vm1 =	vmmov @!p1 $0xffff;
	s14 =	simm.s32 @!p1 $0x8800;
	s4 =	simm.s32 @!p1 $0x0  }
0x7d: {  	v5 =	vor.u32 @!p1 $0x8, v5;
	[tilespmem:s14], [sflag:$0x1] =	stream.indirect_vreg.gather @!p1 [hbm4b:s3+s4], $0x80, v4, vm1, $0xb8;
	[tilespmem:$0x18800] =	vst v63  }
0x7e: {  	v3 =	vperm.xlane @!p1 v3, v5;
	s14 =	simm.s32 @!p1 $0x9000  }
0x7f: {  	[tilespmem:s14], [sflag:$0x1] =	stream.indirect_vreg.gather @!p1 [hbm4b:s8+s4], $0x80, v4, vm1, $0xb8;
	[tilespmem:$0x18800] =	vst v63  }
0x80: {  	v3 =	vadd.s32 @!p1 v6, v3;
	s14 =	simm.s32 @!p1 $0x9800  }
0x81: {  	[tilespmem:s14], [sflag:$0x1] =	stream.indirect_vreg.gather @!p1 [hbm4b:s9+s4], $0x80, v4, vm1, $0xb8;
	[tilespmem:$0x18800] =	vst v63  }
0x82: {  	s14 =	simm.s32 @!p1 $0xA000  }
0x83: {  	[tilespmem:s14], [sflag:$0x1] =	stream.indirect_vreg.gather @!p1 [hbm4b:s10+s4], $0x80, v4, vm1, $0xb8;
	[tilespmem:$0x18800] =	vst v63  }
0x84: {  	s14 =	simm.s32 @!p1 $0xA800  }
0x85: {  	[tilespmem:s14], [sflag:$0x1] =	stream.indirect_vreg.gather @!p1 [hbm4b:s3+s4], $0x80, v3, vm1, $0xb8;
	[tilespmem:$0x18800] =	vst v63  }
0x86: {  	s14 =	simm.s32 @!p1 $0xB000  }
0x87: {  	[tilespmem:s14], [sflag:$0x1] =	stream.indirect_vreg.gather @!p1 [hbm4b:s8+s4], $0x80, v3, vm1, $0xb8;
	[tilespmem:$0x18800] =	vst v63  }
0x88: {  	s14 =	simm.s32 @!p1 $0xB800  }
0x89: {  	[tilespmem:s14], [sflag:$0x1] =	stream.indirect_vreg.gather @!p1 [hbm4b:s9+s4], $0x80, v3, vm1, $0xb8;
	[tilespmem:$0x18800] =	vst v63  }
0x8a: {  	s1 =	sshll.u32 @!p1 s1, $0xB;
	s14 =	simm.s32 @!p1 $0xC000  }
0x8b: {  	[tilespmem:s14], [sflag:$0x1] =	stream.indirect_vreg.gather @!p1 [hbm4b:s10+s4], $0x80, v3, vm1, $0xb8;
	[tilespmem:$0x18800] =	vst v63  }
0x8c: {  	s1 =	sadd.s32 @!p1 s1, s11;
	s14 =	simm.s32 @!p1 $0x800  }
0x8d: {  	[tilespmem:s14], [sflag:$0x3] =	stream.linear.gather @!p1 [hbm4b:s1+s4], $0x4000, $0x38;
	[tilespmem:$0x18800] =	vst v63  }
0x8e: {  	_ =	swait.ge [sflag:s18], $0x4000  }
0x8f: {  	[sflag:s18] =	ssyncset.done $0x0  }
0x90: {  	[sflag:s18] =	ssyncadd.s32 $0xFFFFC000  }
0x91: {  	s24 =	simm.s32 $0x0;
	s22 =	simm.s32 $0x0;
	_ =	swait.ge [sflag:s19], $0x4000  }
0x92: {  	s25 =	simm.s32 $0x0;
	s23 =	sand.u32 $0x40, s22;
	[sflag:s19] =	ssyncset.done $0x0  }
0x93: {  	s1 =	simm.s32 @!p0 $0x6;
	s4 =	sand.u32 $0x1C00, s22;
	[sflag:s19] =	ssyncadd.s32 $0xFFFFC000  }
0x94: {  	s21 =	sand.u32 $0x2000, s24;
	s4 =	sor.u32 s4, s23;
	_ =	swait.ge @!p0 [sflag:s1], $0x4000  }
0x95: {  	s26 =	sand.u32 $0x380, s25;
	s4 =	sor.u32 s21, s4;
	[sflag:s1] =	ssyncset.done @!p0 $0x0  }
0x96: {  	s14 =	sor.u32 s26, s4;
	[sflag:s1] =	ssyncadd.s32 @!p0 $0xFFFFC000  }
0x97: {  	v3 =	vld [tilespmem:s14+$0xC830]  }
0x98: {  	v9 =	vld [tilespmem:s14+$0xC810]  }
0x99: {  	v5 =	vld [tilespmem:s14+$0x4810]  }
0x9a: {  	s22 =	simm.s32 $0x200;
	s23 =	simm.s32 $0x40;
	v6 =	vld [tilespmem:s14+$0x4800]  }
0x9b: {  	s24 =	simm.s32 $0x40;
	s25 =	sand.u32 $0x1C00, s22;
	s21 =	sand.u32 $0x40, s23;
	v11 =	vld [tilespmem:s14+$0x4820]  }
0x9c: {  	s4 =	sand.u32 $0x2000, s24;
	s24 =	simm.s32 $0x8;
	s1 =	sor.u32 s25, s21;
	v13 =	vld [tilespmem:s14+$0x4830]  }
0x9d: {  	s26 =	sand.u32 $0x380, s24;
	s1 =	sor.u32 s4, s1;
	v8 =	vld [tilespmem:s14+$0xC800]  }
0x9e: {  	v7 =	vld [tilespmem:s14+$0xC820];
	s21 =	sor.u32 s26, s1  }
0x9f: {  	v4 =	vld [tilespmem:s21+$0xC830];
	v10 =	vmul.f32 $3.200000000e+01, v5  }
0xa0: {  	v5 =	vld [tilespmem:s21+$0xC810];
	v12 =	vmul.f32 $3.200000000e+01, v6  }
0xa1: {  	s1 =	simm.s32 $0x4;
	v6 =	vld [tilespmem:s21+$0x4810];
	v11 =	vmul.f32 $3.200000000e+01, v11;
	v10 =	vadd.f32 v9, v10;
	v9 =	vmul.f32 $3.200000000e+01, v13  }
.LBB2_5:
0xa2: {  	s23 =	sadd.s32 $0x40, s23  }
0xa3: {  	s1 =	sadd.s32 $0x4, s1;
	v13 =	vld [tilespmem:s21+$0x4800];
	s22 =	sadd.s32 $0x200, s22;
	v8 =	vadd.f32 v8, v12;
	s4 =	sand.u32 $0x40, s23  }
0xa4: {  	s24 =	sshll.u32 s1, $0x4;
	s25 =	sand.u32 $0x1C00, s22;
	v14 =	vld [tilespmem:s21+$0x4820];
	[tilespmem:s14+$0x14810] =	vst v10;
	v7 =	vadd.f32 v7, v11;
	v9 =	vadd.f32 v3, v9;
	s26 =	sshll.u32 s1, $0x1  }
0xa5: {  	p0 =	slt.u32 s1, $0x3FC;
	s24 =	sand.u32 $0x2000, s24;
	s4 =	sor.u32 s25, s4;
	v15 =	vld [tilespmem:s21+$0x4830];
	[tilespmem:s14+$0x14800] =	vst v8;
	v3 =	vmov v4  }
.Ltmp1:
0xa6: {  	s25 =	sand.u32 $0x380, s26;
	s4 =	sor.u32 s24, s4;
	v8 =	vld [tilespmem:s21+$0xC800];
	[tilespmem:s14+$0x14820] =	vst v7;
	v10 =	vmov v5;
	(pc) =	sbr.rel @p0 .LBB2_5-.Ltmp1, $4  }
0xa7: {  	v7 =	vld [tilespmem:s21+$0xC820];
	[tilespmem:s14+$0x14830] =	vst v9;
	s14 =	smov.u32 s21;
	s21 =	sor.u32 s25, s4  }
0xa8: {  	v9 =	vmul.f32 $3.200000000e+01, v6;
	v4 =	vld [tilespmem:s21+$0xC830]  }
0xa9: {  	v12 =	vmul.f32 $3.200000000e+01, v13;
	v5 =	vld [tilespmem:s21+$0xC810]  }
0xaa: {  	v10 =	vadd.f32 v10, v9;
	v11 =	vmul.f32 $3.200000000e+01, v14;
	v6 =	vld [tilespmem:s21+$0x4810];
	v9 =	vmul.f32 $3.200000000e+01, v15  }
0xab: {  	v13 =	vld [tilespmem:s21+$0x4800]  }
0xac: {  	v14 =	vld [tilespmem:s21+$0x4820]  }
0xad: {  	v15 =	vld [tilespmem:s21+$0x4830]  }
0xae: {  	v16 =	vld [tilespmem:s21+$0xC800]  }
0xaf: {  	v8 =	vadd.f32 v8, v12;
	v59 =	vld [tilespmem:s21+$0xC820]  }
0xb0: {  	[tilespmem:s14+$0x14810] =	vst v10;
	v7 =	vadd.f32 v7, v11;
	v6 =	vmul.f32 $3.200000000e+01, v6  }
0xb1: {  	v3 =	vadd.f32 v3, v9;
	[tilespmem:s14+$0x14800] =	vst v8;
	v60 =	vmul.f32 $3.200000000e+01, v13  }
0xb2: {  	s7 =	sadd.s32 $0x1, s7;
	[tilespmem:s14+$0x14820] =	vst v7;
	v61 =	vmul.f32 $3.200000000e+01, v14;
	v5 =	vadd.f32 v5, v6  }
0xb3: {  	p0 =	sne.s32 s7, $0x8;
	[tilespmem:s14+$0x14830] =	vst v3;
	v3 =	vmul.f32 $3.200000000e+01, v15;
	v62 =	vadd.f32 v16, v60  }
.Ltmp2:
0xb4: {  	v63 =	vadd.f32 v59, v61;
	[tilespmem:s21+$0x14810] =	vst v5;
	(pc) =	sbr.rel @p0 .LBB2_2-.Ltmp2, $4  }
0xb5: {  	v3 =	vadd.f32 v4, v3;
	[tilespmem:s21+$0x14800] =	vst v62  }
0xb6: {  	s1 =	rddreg [dreg:$0x3];
	[tilespmem:s21+$0x14820] =	vst v63  }
0xb7: {  	s1 =	sadd.s32 s1, s13;
	[tilespmem:s21+$0x14830] =	vst v3  }
0xb8: {  	[hbm4b:s1+s5] =	stream.linear.scatter [tilespmem:s20], [sflag:$0x6], $0x4000, $0x38;
	[tilespmem:$0x18800] =	vst v63  }
0xb9: {  	s1 =	simm.s32 $0x5  }
0xba: {  	_ =	swait.ge [sflag:s1], $0x4000  }
0xbb: {  	[sflag:s1] =	ssyncset.done $0x0  }
0xbc: {  	s4 =	simm.s32 $0x6;
	[sflag:s1] =	ssyncadd.s32 $0xFFFFC000  }
0xbd: {  	_ =	swait.ge [sflag:s4], $0x4000  }
0xbe: {  	s7 =	rddreg [dreg:$0x7]  }
0xbf: {  	s26 =	rddreg [dreg:$0x6];
	s7 =	sadd.s32 $0x1, s7  }
0xc0: {  	p0 =	sne.s32 s7, s26  }
.Ltmp3:
0xc1: {  	_ = 	snop;
	(pc) =	sbr.rel @p0 .LBB2_1-.Ltmp3, $3  }
0xc2: {  	_ =	sdelay $0x1  }
0xc3: {  	[sflag:s4] =	ssyncset.done $0x0  }
0xc4: {  	[sflag:s4] =	ssyncadd.s32 $0xFFFFC000  }
0xc5: {  	_ =	sfence.sel $0x180000  }
0xc6: {  	[bflag:$0x0] =	sbarrier.arrive $0xFFFF  }
0xc7: {  	_ =	strace $0x90000047  }
0xc8: {  	s0 =	stileid.u32;
	[bflag:$0x2] =	sbarrier.arrive $0xFFFF  }
0xc9: {  	p0 =	sne.s32 s0, $0x0;
	s0 =	rddreg [dreg:$0x4]  }
0xca: {  	s0 =	sadd.s32 @!p0 $0x100000, s0  }
0xcb: {  	[sflag:s0] =	ssyncadd.tile.s32 @!p0 $0x1;
	_ =	shalt  }
.Lfunc_end2:
_tile_overlayer_lowered:
.L_overlay_start_2:
0xcc: {  	(tag) =	ssettag $0x2  }
0xcd: {  	s0 =	rddreg [dreg:$0x0];
	s2 =	stileid.u32  }
0xce: {  	s1 =	rddreg [dreg:$0x1];
	p0 =	sne.s32 s2, $0x0  }
0xcf: {  	s3 =	rddreg [dreg:$0x2];
	[bflag:$0x3] =	sbarrier.arrive $0xFFFF;
	s2 =	simm.s32 @!p0 $0x1C07  }
0xd0: {  	[timem:s3], [sflag:s2] =	dma.local @!p0 [hbm:s0], s1  }
0xd1: {  	s0 =	simm.s32 @!p0 $0x7  }
0xd2: {  	_ =	swait.ge @!p0 [sflag:s0], s1  }
0xd3: {  	s1 =	ssub.s32 @!p0 $0x0, s1;
	[sflag:s0] =	ssyncset.done @!p0 $0x0  }
0xd4: {  	[sflag:s0] =	ssyncadd.s32 @!p0 s1  }
0xd5: {  	[bflag:$0x3] =	sbarrier.arrive $0xFFFF  }
0xd6: {  	_ =	shalt  }

</sc_bundles>
